<compile_context>
chip_gen: v7x
topology: tpu7x:2x2x1
jax: 0.10.2.dev20260603
libtpu: 0.0.44.dev20260713+nightly
codegen_flags: <defaults>
</compile_context>

<pallas_src>
import functools

import jax
import jax.numpy as jnp
from jax import lax
from jax.experimental import pallas as pl
from jax.experimental.pallas import tpu as pltpu
from jax.experimental.pallas import tpu_sc as plsc

TOPK = 8
NE = 64
NMIN = 8
L = 16
NSUB = 16
NB = 4
TPB = 8192
NTOK = NB * TPB
SPB = NSUB // NB
TPW = TPB // SPB
CHUNK = 128
NCHUNK = TPW // CHUNK
NGRP = CHUNK // L


def _dg(v, idx):
    return v.at[idx].get(mode="promise_in_bounds")


def _sc_body(x_hbm, minid_hbm, out_hbm, chunk_v, minid_v, pres_v, all_v,
             stage_v, outstage_v, shared):
    sid = lax.axis_index("s")
    lane = lax.broadcasted_iota(jnp.int32, (L,), 0)
    fzero = jnp.zeros((L,), jnp.float32)
    fone = fzero + 1.0

    rots = []
    for sh in (8, 4, 2, 1):
        idx = lane + sh
        rots.append(jnp.where(idx >= L, idx - L, idx))

    def _lanemax(v):
        for r in rots:
            v = jnp.maximum(v, _dg(v, r))
        return v

    pltpu.sync_copy(minid_hbm, minid_v.at[pl.ds(0, NMIN)])
    mvec = minid_v[...]
    escal = [mvec[m] for m in range(NMIN)]

    pres_v[...] = jnp.zeros((NMIN * L,), jnp.float32)
    all_v[...] = fzero

    b = sid // SPB
    tstart = (sid % SPB) * TPW

    def grp_body(g, carry):
        a0 = all_v[...]

        @pl.when(a0[0] == 0.0)
        def _():
            gbase = g * L
            ves = [chunk_v[escal[m], pl.ds(gbase, L)] for m in range(NMIN)]

            def jb(j, cvs):
                row = chunk_v[j, pl.ds(gbase, L)]
                out = []
                for m in range(NMIN):
                    jlt = jnp.where(j < escal[m], 1.0, 0.0)
                    out.append(cvs[m] + jnp.where(row > ves[m], fone, fzero)
                               + jnp.where(row == ves[m], fzero + jlt, fzero))
                return tuple(out)

            cvs = lax.fori_loop(0, NE, jb, (fzero,) * NMIN)
            acc = fone
            for m in range(NMIN):
                pres = jnp.where(cvs[m] < float(TOPK), fone, fzero)
                s = jnp.maximum(pres_v[pl.ds(L * m, L)], pres)
                pres_v[pl.ds(L * m, L)] = s
                acc = jnp.minimum(acc, _lanemax(s))
            all_v[...] = acc

        return carry

    def chunk_body(ci, carry):
        a0 = all_v[...]

        @pl.when(a0[0] == 0.0)
        def _():
            pltpu.sync_copy(
                x_hbm.at[b, :, pl.ds(tstart + ci * CHUNK, CHUNK)], chunk_v)
            lax.fori_loop(0, NGRP, grp_body, jnp.int32(0))

        return carry

    lax.fori_loop(0, NCHUNK, chunk_body, jnp.int32(0))

    pltpu.sync_copy(pres_v, shared.at[pl.ds(sid * NMIN * L, NMIN * L)])
    plsc.subcore_barrier()

    @pl.when(sid == 0)
    def _finalize():
        pltpu.sync_copy(shared, stage_v)
        gf = [fzero] * NMIN
        for w in range(NSUB):
            for m in range(NMIN):
                gf[m] = jnp.maximum(gf[m],
                                    stage_v[pl.ds((w * NMIN + m) * L, L)])
        matched = fzero
        for m in range(NMIN):
            uniq = fone
            for mp in range(m):
                uniq = uniq * jnp.where(escal[mp] != escal[m], fone, fzero)
            matched = matched + uniq * _lanemax(gf[m])
        loss = 1.0 - matched / float(TOPK * NTOK)
        outstage_v[...] = loss
        pltpu.sync_copy(outstage_v, out_hbm)


@jax.jit
def _run(xt, minid16):
    mesh = plsc.VectorSubcoreMesh(core_axis_name="c", subcore_axis_name="s",
                                  num_cores=1)
    f = functools.partial(
        pl.kernel,
        out_type=jax.ShapeDtypeStruct((L,), jnp.float32),
        mesh=mesh,
        scratch_types=[
            pltpu.VMEM((NE, CHUNK), jnp.float32),
            pltpu.VMEM((L,), jnp.int32),
            pltpu.VMEM((NMIN * L,), jnp.float32),
            pltpu.VMEM((L,), jnp.float32),
            pltpu.VMEM((NSUB * NMIN * L,), jnp.float32),
            pltpu.VMEM((L,), jnp.float32),
            pltpu.VMEM_SHARED((NSUB * NMIN * L,), jnp.float32),
        ],
        compiler_params=pltpu.CompilerParams(use_tc_tiling_on_sc=True),
    )(_sc_body)
    return f(xt, minid16)


def kernel(log_probs, min_k_expert_indices):
    xt = jnp.transpose(log_probs, (0, 2, 1))
    minid = min_k_expert_indices.astype(jnp.int32)
    out = _run(xt, minid)
    return out[0]

# --- scband reference (transcript-rebuilt; emitter-appended) ---
"""Pipeline reference for scband-gating-selection-accuracy-loss-16372415332724 (READ-ONLY COPY).

The authoritative reference and input builder live on the scoring server;
editing this copy changes nothing except your own understanding.
"""

import jax, jax.numpy as jnp
import numpy as np

TOP_K = 8

def setup_inputs(seed: int = 0) -> dict:
    key = jax.random.key(seed)
    k1, k2 = jax.random.split(key)
    log_probs = jax.random.normal(k1, (4, 8192, 64), dtype=jnp.float32)
    min_k_expert_indices = jax.random.randint(k2, (8,), 0, 64)
    return {"log_probs": log_probs, "min_k_expert_indices": min_k_expert_indices}

def reference(log_probs, min_k_expert_indices):
    # torch: topk over last dim, then set-intersection of flattened top indices
    # with the layer-0 min_k expert index set.
    _, top_idx = jax.lax.top_k(log_probs, TOP_K)
    top_flat = top_idx.reshape(-1)
    minid = min_k_expert_indices.astype(jnp.int32)
    # deduplicate minid (torch builds a python set)
    eq = minid[:, None] == minid[None, :]
    earlier_dup = jnp.tril(eq, k=-1).any(axis=1)
    unique_mask = ~earlier_dup
    # distinct min_k values present anywhere in the top-k index set
    present = (top_flat[None, :] == minid[:, None]).any(axis=1)
    matched = jnp.sum(jnp.where(unique_mask & present, 1, 0)).astype(jnp.float32)
    total_top_k = TOP_K * log_probs.shape[0] * log_probs.shape[1]
    accuracy = matched / float(total_top_k) * 100.0
    loss = 1.0 - accuracy / 100.0
    return loss.astype(jnp.float32)

if __name__ == "__main__":
    import jax
    _d = setup_inputs()
    print(jax.jit(kernel)(*tuple(_d.values())))

</pallas_src>

<mosaic_0001>
#map = affine_map<(d0, d1) -> (0, 0, 0)>
#map1 = affine_map<(d0, d1) -> (0)>
module attributes {stable_mosaic.version = 14 : i64} {
  func.func @_sc_body(%arg0: i32, %arg1: i32, %arg2: memref<4x64x8192xf32, #tpu.memory_space<hbm>>, %arg3: memref<8xi32, #tpu.memory_space<hbm>>, %arg4: memref<16xf32, #tpu.memory_space<hbm>>, %arg5: memref<64x128xf32, #tpu.memory_space<vmem>>, %arg6: memref<16xi32, #tpu.memory_space<vmem>>, %arg7: memref<128xf32, #tpu.memory_space<vmem>>, %arg8: memref<16xf32, #tpu.memory_space<vmem>>, %arg9: memref<2048xf32, #tpu.memory_space<vmem>>, %arg10: memref<16xf32, #tpu.memory_space<vmem>>, %arg11: memref<2048xf32, #tpu.memory_space<vmem_shared>>) attributes {dimension_semantics = [#tpu.dimension_semantics<core_parallel>, #tpu.dimension_semantics<subcore_parallel>], iteration_bounds = array<i64: 1, 16>, scalar_prefetch = 0 : i64, scratch_operands = 7 : i64, tpu.core_type = #tpu.core_type<sc_vector_subcore>, window_params = [{transform_indices = #map}, {transform_indices = #map1}, {transform_indices = #map1}]} {
    %iota3A = tpu.iota {dimensions = array<i32: 0>} : vector<16xi32>
    %broadcast_in_dim3A = arith.constant 0.000000e+00 : f32
    %broadcast_in_dim3A_0 = vector.broadcast %broadcast_in_dim3A : f32 to vector<16xf32>
    %add3A = arith.constant 1.000000e+00 : f32
    %add3A_1 = vector.broadcast %add3A : f32 to vector<16xf32>
    %add3A_2 = arith.addf %broadcast_in_dim3A_0, %add3A_1 : vector<16xf32>
    %add3A_3 = arith.constant 8 : i32
    %add3A_4 = vector.broadcast %add3A_3 : i32 to vector<16xi32>
    %add3A_5 = arith.addi %iota3A, %add3A_4 : vector<16xi32>
    %ge3A = arith.constant 16 : i32
    %ge3A_6 = vector.broadcast %ge3A : i32 to vector<16xi32>
    %ge3A_7 = arith.cmpi sge, %add3A_5, %ge3A_6 : vector<16xi32>
    %sub3A = arith.constant 16 : i32
    %sub3A_8 = vector.broadcast %sub3A : i32 to vector<16xi32>
    %sub3A_9 = arith.subi %add3A_5, %sub3A_8 : vector<16xi32>
    %select_n3A = arith.select %ge3A_7, %sub3A_9, %add3A_5 : vector<16xi1>, vector<16xi32>
    %add3A_10 = arith.constant 4 : i32
    %add3A_11 = vector.broadcast %add3A_10 : i32 to vector<16xi32>
    %add3A_12 = arith.addi %iota3A, %add3A_11 : vector<16xi32>
    %ge3A_13 = arith.constant 16 : i32
    %ge3A_14 = vector.broadcast %ge3A_13 : i32 to vector<16xi32>
    %ge3A_15 = arith.cmpi sge, %add3A_12, %ge3A_14 : vector<16xi32>
    %sub3A_16 = arith.constant 16 : i32
    %sub3A_17 = vector.broadcast %sub3A_16 : i32 to vector<16xi32>
    %sub3A_18 = arith.subi %add3A_12, %sub3A_17 : vector<16xi32>
    %select_n3A_19 = arith.select %ge3A_15, %sub3A_18, %add3A_12 : vector<16xi1>, vector<16xi32>
    %add3A_20 = arith.constant 2 : i32
    %add3A_21 = vector.broadcast %add3A_20 : i32 to vector<16xi32>
    %add3A_22 = arith.addi %iota3A, %add3A_21 : vector<16xi32>
    %ge3A_23 = arith.constant 16 : i32
    %ge3A_24 = vector.broadcast %ge3A_23 : i32 to vector<16xi32>
    %ge3A_25 = arith.cmpi sge, %add3A_22, %ge3A_24 : vector<16xi32>
    %sub3A_26 = arith.constant 16 : i32
    %sub3A_27 = vector.broadcast %sub3A_26 : i32 to vector<16xi32>
    %sub3A_28 = arith.subi %add3A_22, %sub3A_27 : vector<16xi32>
    %select_n3A_29 = arith.select %ge3A_25, %sub3A_28, %add3A_22 : vector<16xi1>, vector<16xi32>
    %add3A_30 = arith.constant 1 : i32
    %add3A_31 = vector.broadcast %add3A_30 : i32 to vector<16xi32>
    %add3A_32 = arith.addi %iota3A, %add3A_31 : vector<16xi32>
    %ge3A_33 = arith.constant 16 : i32
    %ge3A_34 = vector.broadcast %ge3A_33 : i32 to vector<16xi32>
    %ge3A_35 = arith.cmpi sge, %add3A_32, %ge3A_34 : vector<16xi32>
    %sub3A_36 = arith.constant 16 : i32
    %sub3A_37 = vector.broadcast %sub3A_36 : i32 to vector<16xi32>
    %sub3A_38 = arith.subi %add3A_32, %sub3A_37 : vector<16xi32>
    %select_n3A_39 = arith.select %ge3A_35, %sub3A_38, %add3A_32 : vector<16xi1>, vector<16xi32>
    "tpu.region"() ({
      %run_scoped3A = tpu.sem_alloc : memref<!tpu.dma_semaphore, #tpu.memory_space<semaphore_mem>>
      %dma_start3A = arith.constant 0 : i32
      %dma_start3A_110 = tpu.memref_slice %arg6[%dma_start3A] : memref<16xi32, #tpu.memory_space<vmem>> -> memref<8xi32, #tpu.memory_space<vmem>>
      %dma_start3A_111 = arith.constant 0 : i32
      %dma_start3A_112 = tpu.memref_slice %arg6[%dma_start3A_111] : memref<16xi32, #tpu.memory_space<vmem>> -> memref<8xi32, #tpu.memory_space<vmem>>
      tpu.enqueue_dma source(%arg3 : memref<8xi32, #tpu.memory_space<hbm>>) target(%dma_start3A_112 : memref<8xi32, #tpu.memory_space<vmem>>) target_semaphore(%run_scoped3A : memref<!tpu.dma_semaphore, #tpu.memory_space<semaphore_mem>>)
      %dma_wait3A = arith.constant 0 : i32
      %dma_wait3A_113 = tpu.memref_slice %arg6[%dma_wait3A] : memref<16xi32, #tpu.memory_space<vmem>> -> memref<8xi32, #tpu.memory_space<vmem>>
      %dma_wait3A_114 = arith.constant 0 : i32
      %dma_wait3A_115 = tpu.memref_slice %arg6[%dma_wait3A_114] : memref<16xi32, #tpu.memory_space<vmem>> -> memref<8xi32, #tpu.memory_space<vmem>>
      tpu.wait_dma2 semaphore(%run_scoped3A : memref<!tpu.dma_semaphore, #tpu.memory_space<semaphore_mem>>) src(%arg3 : memref<8xi32, #tpu.memory_space<hbm>>) dst(%dma_wait3A_115 : memref<8xi32, #tpu.memory_space<vmem>>)
      tpu.yield
    }) : () -> ()
    %get3A = arith.constant 0 : index
    %get3A_40 = tpu.vector_load %arg6[%get3A] {strides = array<i32>} : memref<16xi32, #tpu.memory_space<vmem>>, vector<16xi32>,
    %get3A_41 = vector.shape_cast %get3A_40 : vector<16xi32> to vector<16xi32>
    %slice3A = vector.extract_strided_slice %get3A_41 {offsets = [0], sizes = [1], strides = [1]} : vector<16xi32> to vector<1xi32>
    %squeeze3A = vector.extract %slice3A[0] : i32 from vector<1xi32>
    %slice3A_42 = vector.extract_strided_slice %get3A_41 {offsets = [1], sizes = [1], strides = [1]} : vector<16xi32> to vector<1xi32>
    %squeeze3A_43 = vector.extract %slice3A_42[0] : i32 from vector<1xi32>
    %slice3A_44 = vector.extract_strided_slice %get3A_41 {offsets = [2], sizes = [1], strides = [1]} : vector<16xi32> to vector<1xi32>
    %squeeze3A_45 = vector.extract %slice3A_44[0] : i32 from vector<1xi32>
    %slice3A_46 = vector.extract_strided_slice %get3A_41 {offsets = [3], sizes = [1], strides = [1]} : vector<16xi32> to vector<1xi32>
    %squeeze3A_47 = vector.extract %slice3A_46[0] : i32 from vector<1xi32>
    %slice3A_48 = vector.extract_strided_slice %get3A_41 {offsets = [4], sizes = [1], strides = [1]} : vector<16xi32> to vector<1xi32>
    %squeeze3A_49 = vector.extract %slice3A_48[0] : i32 from vector<1xi32>
    %slice3A_50 = vector.extract_strided_slice %get3A_41 {offsets = [5], sizes = [1], strides = [1]} : vector<16xi32> to vector<1xi32>
    %squeeze3A_51 = vector.extract %slice3A_50[0] : i32 from vector<1xi32>
    %slice3A_52 = vector.extract_strided_slice %get3A_41 {offsets = [6], sizes = [1], strides = [1]} : vector<16xi32> to vector<1xi32>
    %squeeze3A_53 = vector.extract %slice3A_52[0] : i32 from vector<1xi32>
    %slice3A_54 = vector.extract_strided_slice %get3A_41 {offsets = [7], sizes = [1], strides = [1]} : vector<16xi32> to vector<1xi32>
    %squeeze3A_55 = vector.extract %slice3A_54[0] : i32 from vector<1xi32>
    %broadcast_in_dim3A_56 = arith.constant 0.000000e+00 : f32
    %broadcast_in_dim3A_57 = vector.broadcast %broadcast_in_dim3A_56 : f32 to vector<128xf32>
    %swap3A = arith.constant 0 : index
    %swap3A_58 = tpu.vector_load %arg7[%swap3A] {strides = array<i32>} : memref<128xf32, #tpu.memory_space<vmem>>, vector<128xf32>,
    %swap3A_59 = vector.shape_cast %swap3A_58 : vector<128xf32> to vector<128xf32>
    %swap3A_60 = vector.shape_cast %broadcast_in_dim3A_57 : vector<128xf32> to vector<128xf32>
    tpu.vector_store %arg7[%swap3A], %swap3A_60 {strides = array<i32>} : memref<128xf32, #tpu.memory_space<vmem>>, vector<128xf32>,
    %swap3A_61 = arith.constant 0 : index
    %swap3A_62 = tpu.vector_load %arg8[%swap3A_61] {strides = array<i32>} : memref<16xf32, #tpu.memory_space<vmem>>, vector<16xf32>,
    %swap3A_63 = vector.shape_cast %swap3A_62 : vector<16xf32> to vector<16xf32>
    %swap3A_64 = vector.shape_cast %broadcast_in_dim3A_0 : vector<16xf32> to vector<16xf32>
    tpu.vector_store %arg8[%swap3A_61], %swap3A_64 {strides = array<i32>} : memref<16xf32, #tpu.memory_space<vmem>>, vector<16xf32>,
    %jit3A = arith.constant 4 : i32
    %div3A = arith.divsi %arg1, %jit3A : i32
    %sign3A = arith.constant 0 : i32
    %sign3A_65 = arith.cmpi sgt, %arg1, %sign3A : i32
    %sign3A_66 = arith.extui %sign3A_65 : i1 to i32
    %sign3A_67 = arith.constant 0 : i32
    %sign3A_68 = arith.cmpi slt, %arg1, %sign3A_67 : i32
    %sign3A_69 = arith.extui %sign3A_68 : i1 to i32
    %sign3A_70 = arith.subi %sign3A_66, %sign3A_69 : i32
    %sign3A_71 = arith.constant 0 : i32
    %sign3A_72 = arith.cmpi sgt, %jit3A, %sign3A_71 : i32
    %sign3A_73 = arith.extui %sign3A_72 : i1 to i32
    %sign3A_74 = arith.constant 0 : i32
    %sign3A_75 = arith.cmpi slt, %jit3A, %sign3A_74 : i32
    %sign3A_76 = arith.extui %sign3A_75 : i1 to i32
    %sign3A_77 = arith.subi %sign3A_73, %sign3A_76 : i32
    %ne3A = arith.cmpi ne, %sign3A_70, %sign3A_77 : i32
    %rem3A = arith.remsi %arg1, %jit3A : i32
    %ne3A_78 = arith.constant 0 : i32
    %ne3A_79 = arith.cmpi ne, %rem3A, %ne3A_78 : i32
    %and3A = arith.andi %ne3A, %ne3A_79 : i1
    %sub3A_80 = arith.constant 1 : i32
    %sub3A_81 = arith.subi %div3A, %sub3A_80 : i32
    %select_n3A_82 = arith.select %and3A, %sub3A_81, %div3A : i32
    %jit3A_83 = arith.constant 4 : i32
    %eq3A = arith.constant 0 : i32
    %eq3A_84 = arith.cmpi eq, %jit3A_83, %eq3A : i32
    %jit3A_85 = arith.constant 1 : i32
    %select_n3A_86 = arith.select %eq3A_84, %jit3A_85, %jit3A_83 : i32
    %rem3A_87 = arith.remsi %arg1, %select_n3A_86 : i32
    %ne3A_88 = arith.constant 0 : i32
    %ne3A_89 = arith.cmpi ne, %rem3A_87, %ne3A_88 : i32
    %lt3A = arith.constant 0 : i32
    %lt3A_90 = arith.cmpi slt, %rem3A_87, %lt3A : i32
    %lt3A_91 = arith.constant 0 : i32
    %lt3A_92 = arith.cmpi slt, %select_n3A_86, %lt3A_91 : i32
    %ne3A_93 = arith.xori %lt3A_90, %lt3A_92 : i1
    %and3A_94 = arith.andi %ne3A_93, %ne3A_89 : i1
    %add3A_95 = arith.addi %rem3A_87, %select_n3A_86 : i32
    %select_n3A_96 = arith.select %and3A_94, %add3A_95, %rem3A_87 : i32
    %mul3A = arith.constant 2048 : i32
    %mul3A_97 = arith.muli %select_n3A_96, %mul3A : i32
    %scan3A = arith.constant 0 : i32
    %scan3A_98 = arith.constant 0 : i32
    %scan3A_99 = arith.constant 16 : i32
    %scan3A_100 = arith.addi %scan3A_98, %scan3A_99 : i32
    %scan3A_101 = arith.constant 1 : i32
    scf.for %scan3A_110 = %scan3A_98 to %scan3A_100 step %scan3A_101  : i32 {
      %get3A_111 = arith.constant 0 : index
      %get3A_112 = tpu.vector_load %arg8[%get3A_111] {strides = array<i32>} : memref<16xf32, #tpu.memory_space<vmem>>, vector<16xf32>,
      %get3A_113 = vector.shape_cast %get3A_112 : vector<16xf32> to vector<16xf32>
      %slice3A_114 = vector.extract_strided_slice %get3A_113 {offsets = [0], sizes = [1], strides = [1]} : vector<16xf32> to vector<1xf32>
      %squeeze3A_115 = vector.extract %slice3A_114[0] : f32 from vector<1xf32>
      %eq3A_116 = arith.constant 0.000000e+00 : f32
      %eq3A_117 = arith.cmpf oeq, %squeeze3A_115, %eq3A_116 : f32
      %convert_element_type3A_118 = arith.extui %eq3A_117 : i1 to i32
      %cond3A_119 = arith.constant 0 : i32
      %cond3A_120 = arith.cmpi ne, %convert_element_type3A_118, %cond3A_119 : i32
      scf.if %cond3A_120 {
        %mul3A_121 = arith.constant 128 : i32
        %mul3A_122 = arith.muli %scan3A_110, %mul3A_121 : i32
        %add3A_123 = arith.addi %mul3A_97, %mul3A_122 : i32
        "tpu.region"() ({
          %run_scoped3A = tpu.sem_alloc : memref<!tpu.dma_semaphore, #tpu.memory_space<semaphore_mem>>
          %dma_start3A = arith.constant 0 : i32
          %dma_start3A_130 = tpu.memref_slice %arg2[%select_n3A_82, %dma_start3A, %add3A_123] : memref<4x64x8192xf32, #tpu.memory_space<hbm>> -> memref<1x64x128xf32, #tpu.memory_space<hbm>>
          %dma_start3A_131 = tpu.memref_squeeze %dma_start3A_130 : memref<1x64x128xf32, #tpu.memory_space<hbm>> -> memref<64x128xf32, #tpu.memory_space<hbm>>
          %dma_start3A_132 = arith.constant 0 : i32
          %dma_start3A_133 = tpu.memref_slice %arg2[%select_n3A_82, %dma_start3A_132, %add3A_123] : memref<4x64x8192xf32, #tpu.memory_space<hbm>> -> memref<1x64x128xf32, #tpu.memory_space<hbm>>
          %dma_start3A_134 = tpu.memref_squeeze %dma_start3A_133 : memref<1x64x128xf32, #tpu.memory_space<hbm>> -> memref<64x128xf32, #tpu.memory_space<hbm>>
          tpu.enqueue_dma source(%dma_start3A_134 : memref<64x128xf32, #tpu.memory_space<hbm>>) target(%arg5 : memref<64x128xf32, #tpu.memory_space<vmem>>) target_semaphore(%run_scoped3A : memref<!tpu.dma_semaphore, #tpu.memory_space<semaphore_mem>>)
          %dma_wait3A = arith.constant 0 : i32
          %dma_wait3A_135 = tpu.memref_slice %arg2[%select_n3A_82, %dma_wait3A, %add3A_123] : memref<4x64x8192xf32, #tpu.memory_space<hbm>> -> memref<1x64x128xf32, #tpu.memory_space<hbm>>
          %dma_wait3A_136 = tpu.memref_squeeze %dma_wait3A_135 : memref<1x64x128xf32, #tpu.memory_space<hbm>> -> memref<64x128xf32, #tpu.memory_space<hbm>>
          %dma_wait3A_137 = arith.constant 0 : i32
          %dma_wait3A_138 = tpu.memref_slice %arg2[%select_n3A_82, %dma_wait3A_137, %add3A_123] : memref<4x64x8192xf32, #tpu.memory_space<hbm>> -> memref<1x64x128xf32, #tpu.memory_space<hbm>>
          %dma_wait3A_139 = tpu.memref_squeeze %dma_wait3A_138 : memref<1x64x128xf32, #tpu.memory_space<hbm>> -> memref<64x128xf32, #tpu.memory_space<hbm>>
          tpu.wait_dma2 semaphore(%run_scoped3A : memref<!tpu.dma_semaphore, #tpu.memory_space<semaphore_mem>>) src(%dma_wait3A_139 : memref<64x128xf32, #tpu.memory_space<hbm>>) dst(%arg5 : memref<64x128xf32, #tpu.memory_space<vmem>>)
          tpu.yield
        }) : () -> ()
        %scan3A_124 = arith.constant 0 : i32
        %scan3A_125 = arith.constant 0 : i32
        %scan3A_126 = arith.constant 8 : i32
        %scan3A_127 = arith.addi %scan3A_125, %scan3A_126 : i32
        %scan3A_128 = arith.constant 1 : i32
        scf.for %scan3A_130 = %scan3A_125 to %scan3A_127 step %scan3A_128  : i32 {
          %get3A_131 = arith.constant 0 : index
          %get3A_132 = tpu.vector_load %arg8[%get3A_131] {strides = array<i32>} : memref<16xf32, #tpu.memory_space<vmem>>, vector<16xf32>,
          %get3A_133 = vector.shape_cast %get3A_132 : vector<16xf32> to vector<16xf32>
          %slice3A_134 = vector.extract_strided_slice %get3A_133 {offsets = [0], sizes = [1], strides = [1]} : vector<16xf32> to vector<1xf32>
          %squeeze3A_135 = vector.extract %slice3A_134[0] : f32 from vector<1xf32>
          %eq3A_136 = arith.constant 0.000000e+00 : f32
          %eq3A_137 = arith.cmpf oeq, %squeeze3A_135, %eq3A_136 : f32
          %convert_element_type3A_138 = arith.extui %eq3A_137 : i1 to i32
          %cond3A_139 = arith.constant 0 : i32
          %cond3A_140 = arith.cmpi ne, %convert_element_type3A_138, %cond3A_139 : i32
          scf.if %cond3A_140 {
            %mul3A_141 = arith.constant 16 : i32
            %mul3A_142 = arith.muli %scan3A_130, %mul3A_141 : i32
            %get3A_143 = arith.index_cast %squeeze3A : i32 to index
            %get3A_144 = arith.index_cast %mul3A_142 : i32 to index
            %get3A_145 = tpu.vector_load %arg5[%get3A_143, %get3A_144] {strides = array<i32>} : memref<64x128xf32, #tpu.memory_space<vmem>>, vector<1x16xf32>,
            %get3A_146 = vector.shape_cast %get3A_145 : vector<1x16xf32> to vector<16xf32>
            %get3A_147 = arith.index_cast %squeeze3A_43 : i32 to index
            %get3A_148 = arith.index_cast %mul3A_142 : i32 to index
            %get3A_149 = tpu.vector_load %arg5[%get3A_147, %get3A_148] {strides = array<i32>} : memref<64x128xf32, #tpu.memory_space<vmem>>, vector<1x16xf32>,
            %get3A_150 = vector.shape_cast %get3A_149 : vector<1x16xf32> to vector<16xf32>
            %get3A_151 = arith.index_cast %squeeze3A_45 : i32 to index
            %get3A_152 = arith.index_cast %mul3A_142 : i32 to index
            %get3A_153 = tpu.vector_load %arg5[%get3A_151, %get3A_152] {strides = array<i32>} : memref<64x128xf32, #tpu.memory_space<vmem>>, vector<1x16xf32>,
            %get3A_154 = vector.shape_cast %get3A_153 : vector<1x16xf32> to vector<16xf32>
            %get3A_155 = arith.index_cast %squeeze3A_47 : i32 to index
            %get3A_156 = arith.index_cast %mul3A_142 : i32 to index
            %get3A_157 = tpu.vector_load %arg5[%get3A_155, %get3A_156] {strides = array<i32>} : memref<64x128xf32, #tpu.memory_space<vmem>>, vector<1x16xf32>,
            %get3A_158 = vector.shape_cast %get3A_157 : vector<1x16xf32> to vector<16xf32>
            %get3A_159 = arith.index_cast %squeeze3A_49 : i32 to index
            %get3A_160 = arith.index_cast %mul3A_142 : i32 to index
            %get3A_161 = tpu.vector_load %arg5[%get3A_159, %get3A_160] {strides = array<i32>} : memref<64x128xf32, #tpu.memory_space<vmem>>, vector<1x16xf32>,
            %get3A_162 = vector.shape_cast %get3A_161 : vector<1x16xf32> to vector<16xf32>
            %get3A_163 = arith.index_cast %squeeze3A_51 : i32 to index
            %get3A_164 = arith.index_cast %mul3A_142 : i32 to index
            %get3A_165 = tpu.vector_load %arg5[%get3A_163, %get3A_164] {strides = array<i32>} : memref<64x128xf32, #tpu.memory_space<vmem>>, vector<1x16xf32>,
            %get3A_166 = vector.shape_cast %get3A_165 : vector<1x16xf32> to vector<16xf32>
            %get3A_167 = arith.index_cast %squeeze3A_53 : i32 to index
            %get3A_168 = arith.index_cast %mul3A_142 : i32 to index
            %get3A_169 = tpu.vector_load %arg5[%get3A_167, %get3A_168] {strides = array<i32>} : memref<64x128xf32, #tpu.memory_space<vmem>>, vector<1x16xf32>,
            %get3A_170 = vector.shape_cast %get3A_169 : vector<1x16xf32> to vector<16xf32>
            %get3A_171 = arith.index_cast %squeeze3A_55 : i32 to index
            %get3A_172 = arith.index_cast %mul3A_142 : i32 to index
            %get3A_173 = tpu.vector_load %arg5[%get3A_171, %get3A_172] {strides = array<i32>} : memref<64x128xf32, #tpu.memory_space<vmem>>, vector<1x16xf32>,
            %get3A_174 = vector.shape_cast %get3A_173 : vector<1x16xf32> to vector<16xf32>
            %scan3A_175 = arith.constant 0 : i32
            %scan3A_176 = arith.constant 64 : i32
            %scan3A_177 = arith.addi %scan3A_175, %scan3A_176 : i32
            %scan3A_178 = arith.constant 1 : i32
            %scan3A_179:8 = scf.for %scan3A_638 = %scan3A_175 to %scan3A_177 step %scan3A_178 iter_args(%scan3A_639 = %broadcast_in_dim3A_0, %scan3A_640 = %broadcast_in_dim3A_0, %scan3A_641 = %broadcast_in_dim3A_0, %scan3A_642 = %broadcast_in_dim3A_0, %scan3A_643 = %broadcast_in_dim3A_0, %scan3A_644 = %broadcast_in_dim3A_0, %scan3A_645 = %broadcast_in_dim3A_0, %scan3A_646 = %broadcast_in_dim3A_0) -> (vector<16xf32>, vector<16xf32>, vector<16xf32>, vector<16xf32>, vector<16xf32>, vector<16xf32>, vector<16xf32>, vector<16xf32>)  : i32 {
              %get3A_647 = arith.index_cast %scan3A_638 : i32 to index
              %get3A_648 = arith.index_cast %mul3A_142 : i32 to index
              %get3A_649 = tpu.vector_load %arg5[%get3A_647, %get3A_648] {strides = array<i32>} : memref<64x128xf32, #tpu.memory_space<vmem>>, vector<1x16xf32>,
              %get3A_650 = vector.shape_cast %get3A_649 : vector<1x16xf32> to vector<16xf32>
              %lt3A_651 = arith.cmpi slt, %scan3A_638, %squeeze3A : i32
              %jit3A_652 = arith.constant 1.000000e+00 : f32
              %jit3A_653 = arith.constant 0.000000e+00 : f32
              %select_n3A_654 = arith.select %lt3A_651, %jit3A_652, %jit3A_653 : f32
              %gt3A = arith.cmpf ogt, %get3A_650, %get3A_146 : vector<16xf32>
              %select_n3A_655 = arith.select %gt3A, %add3A_2, %broadcast_in_dim3A_0 : vector<16xi1>, vector<16xf32>
              %add3A_656 = arith.addf %scan3A_639, %select_n3A_655 : vector<16xf32>
              %eq3A_657 = arith.cmpf oeq, %get3A_650, %get3A_146 : vector<16xf32>
              %add3A_658 = vector.broadcast %select_n3A_654 : f32 to vector<16xf32>
              %add3A_659 = arith.addf %broadcast_in_dim3A_0, %add3A_658 : vector<16xf32>
              %select_n3A_660 = arith.select %eq3A_657, %add3A_659, %broadcast_in_dim3A_0 : vector<16xi1>, vector<16xf32>
              %add3A_661 = arith.addf %add3A_656, %select_n3A_660 : vector<16xf32>
              %lt3A_662 = arith.cmpi slt, %scan3A_638, %squeeze3A_43 : i32
              %jit3A_663 = arith.constant 1.000000e+00 : f32
              %jit3A_664 = arith.constant 0.000000e+00 : f32
              %select_n3A_665 = arith.select %lt3A_662, %jit3A_663, %jit3A_664 : f32
              %gt3A_666 = arith.cmpf ogt, %get3A_650, %get3A_150 : vector<16xf32>
              %select_n3A_667 = arith.select %gt3A_666, %add3A_2, %broadcast_in_dim3A_0 : vector<16xi1>, vector<16xf32>
              %add3A_668 = arith.addf %scan3A_640, %select_n3A_667 : vector<16xf32>
              %eq3A_669 = arith.cmpf oeq, %get3A_650, %get3A_150 : vector<16xf32>
              %add3A_670 = vector.broadcast %select_n3A_665 : f32 to vector<16xf32>
              %add3A_671 = arith.addf %broadcast_in_dim3A_0, %add3A_670 : vector<16xf32>
              %select_n3A_672 = arith.select %eq3A_669, %add3A_671, %broadcast_in_dim3A_0 : vector<16xi1>, vector<16xf32>
              %add3A_673 = arith.addf %add3A_668, %select_n3A_672 : vector<16xf32>
              %lt3A_674 = arith.cmpi slt, %scan3A_638, %squeeze3A_45 : i32
              %jit3A_675 = arith.constant 1.000000e+00 : f32
              %jit3A_676 = arith.constant 0.000000e+00 : f32
              %select_n3A_677 = arith.select %lt3A_674, %jit3A_675, %jit3A_676 : f32
              %gt3A_678 = arith.cmpf ogt, %get3A_650, %get3A_154 : vector<16xf32>
              %select_n3A_679 = arith.select %gt3A_678, %add3A_2, %broadcast_in_dim3A_0 : vector<16xi1>, vector<16xf32>
              %add3A_680 = arith.addf %scan3A_641, %select_n3A_679 : vector<16xf32>
              %eq3A_681 = arith.cmpf oeq, %get3A_650, %get3A_154 : vector<16xf32>
              %add3A_682 = vector.broadcast %select_n3A_677 : f32 to vector<16xf32>
              %add3A_683 = arith.addf %broadcast_in_dim3A_0, %add3A_682 : vector<16xf32>
              %select_n3A_684 = arith.select %eq3A_681, %add3A_683, %broadcast_in_dim3A_0 : vector<16xi1>, vector<16xf32>
              %add3A_685 = arith.addf %add3A_680, %select_n3A_684 : vector<16xf32>
              %lt3A_686 = arith.cmpi slt, %scan3A_638, %squeeze3A_47 : i32
              %jit3A_687 = arith.constant 1.000000e+00 : f32
              %jit3A_688 = arith.constant 0.000000e+00 : f32
              %select_n3A_689 = arith.select %lt3A_686, %jit3A_687, %jit3A_688 : f32
              %gt3A_690 = arith.cmpf ogt, %get3A_650, %get3A_158 : vector<16xf32>
              %select_n3A_691 = arith.select %gt3A_690, %add3A_2, %broadcast_in_dim3A_0 : vector<16xi1>, vector<16xf32>
              %add3A_692 = arith.addf %scan3A_642, %select_n3A_691 : vector<16xf32>
              %eq3A_693 = arith.cmpf oeq, %get3A_650, %get3A_158 : vector<16xf32>
              %add3A_694 = vector.broadcast %select_n3A_689 : f32 to vector<16xf32>
              %add3A_695 = arith.addf %broadcast_in_dim3A_0, %add3A_694 : vector<16xf32>
              %select_n3A_696 = arith.select %eq3A_693, %add3A_695, %broadcast_in_dim3A_0 : vector<16xi1>, vector<16xf32>
              %add3A_697 = arith.addf %add3A_692, %select_n3A_696 : vector<16xf32>
              %lt3A_698 = arith.cmpi slt, %scan3A_638, %squeeze3A_49 : i32
              %jit3A_699 = arith.constant 1.000000e+00 : f32
              %jit3A_700 = arith.constant 0.000000e+00 : f32
              %select_n3A_701 = arith.select %lt3A_698, %jit3A_699, %jit3A_700 : f32
              %gt3A_702 = arith.cmpf ogt, %get3A_650, %get3A_162 : vector<16xf32>
              %select_n3A_703 = arith.select %gt3A_702, %add3A_2, %broadcast_in_dim3A_0 : vector<16xi1>, vector<16xf32>
              %add3A_704 = arith.addf %scan3A_643, %select_n3A_703 : vector<16xf32>
              %eq3A_705 = arith.cmpf oeq, %get3A_650, %get3A_162 : vector<16xf32>
              %add3A_706 = vector.broadcast %select_n3A_701 : f32 to vector<16xf32>
              %add3A_707 = arith.addf %broadcast_in_dim3A_0, %add3A_706 : vector<16xf32>
              %select_n3A_708 = arith.select %eq3A_705, %add3A_707, %broadcast_in_dim3A_0 : vector<16xi1>, vector<16xf32>
              %add3A_709 = arith.addf %add3A_704, %select_n3A_708 : vector<16xf32>
              %lt3A_710 = arith.cmpi slt, %scan3A_638, %squeeze3A_51 : i32
              %jit3A_711 = arith.constant 1.000000e+00 : f32
              %jit3A_712 = arith.constant 0.000000e+00 : f32
              %select_n3A_713 = arith.select %lt3A_710, %jit3A_711, %jit3A_712 : f32
              %gt3A_714 = arith.cmpf ogt, %get3A_650, %get3A_166 : vector<16xf32>
              %select_n3A_715 = arith.select %gt3A_714, %add3A_2, %broadcast_in_dim3A_0 : vector<16xi1>, vector<16xf32>
              %add3A_716 = arith.addf %scan3A_644, %select_n3A_715 : vector<16xf32>
              %eq3A_717 = arith.cmpf oeq, %get3A_650, %get3A_166 : vector<16xf32>
              %add3A_718 = vector.broadcast %select_n3A_713 : f32 to vector<16xf32>
              %add3A_719 = arith.addf %broadcast_in_dim3A_0, %add3A_718 : vector<16xf32>
              %select_n3A_720 = arith.select %eq3A_717, %add3A_719, %broadcast_in_dim3A_0 : vector<16xi1>, vector<16xf32>
              %add3A_721 = arith.addf %add3A_716, %select_n3A_720 : vector<16xf32>
              %lt3A_722 = arith.cmpi slt, %scan3A_638, %squeeze3A_53 : i32
              %jit3A_723 = arith.constant 1.000000e+00 : f32
              %jit3A_724 = arith.constant 0.000000e+00 : f32
              %select_n3A_725 = arith.select %lt3A_722, %jit3A_723, %jit3A_724 : f32
              %gt3A_726 = arith.cmpf ogt, %get3A_650, %get3A_170 : vector<16xf32>
              %select_n3A_727 = arith.select %gt3A_726, %add3A_2, %broadcast_in_dim3A_0 : vector<16xi1>, vector<16xf32>
              %add3A_728 = arith.addf %scan3A_645, %select_n3A_727 : vector<16xf32>
              %eq3A_729 = arith.cmpf oeq, %get3A_650, %get3A_170 : vector<16xf32>
              %add3A_730 = vector.broadcast %select_n3A_725 : f32 to vector<16xf32>
              %add3A_731 = arith.addf %broadcast_in_dim3A_0, %add3A_730 : vector<16xf32>
              %select_n3A_732 = arith.select %eq3A_729, %add3A_731, %broadcast_in_dim3A_0 : vector<16xi1>, vector<16xf32>
              %add3A_733 = arith.addf %add3A_728, %select_n3A_732 : vector<16xf32>
              %lt3A_734 = arith.cmpi slt, %scan3A_638, %squeeze3A_55 : i32
              %jit3A_735 = arith.constant 1.000000e+00 : f32
              %jit3A_736 = arith.constant 0.000000e+00 : f32
              %select_n3A_737 = arith.select %lt3A_734, %jit3A_735, %jit3A_736 : f32
              %gt3A_738 = arith.cmpf ogt, %get3A_650, %get3A_174 : vector<16xf32>
              %select_n3A_739 = arith.select %gt3A_738, %add3A_2, %broadcast_in_dim3A_0 : vector<16xi1>, vector<16xf32>
              %add3A_740 = arith.addf %scan3A_646, %select_n3A_739 : vector<16xf32>
              %eq3A_741 = arith.cmpf oeq, %get3A_650, %get3A_174 : vector<16xf32>
              %add3A_742 = vector.broadcast %select_n3A_737 : f32 to vector<16xf32>
              %add3A_743 = arith.addf %broadcast_in_dim3A_0, %add3A_742 : vector<16xf32>
              %select_n3A_744 = arith.select %eq3A_741, %add3A_743, %broadcast_in_dim3A_0 : vector<16xi1>, vector<16xf32>
              %add3A_745 = arith.addf %add3A_740, %select_n3A_744 : vector<16xf32>
              scf.yield %add3A_661, %add3A_673, %add3A_685, %add3A_697, %add3A_709, %add3A_721, %add3A_733, %add3A_745 : vector<16xf32>, vector<16xf32>, vector<16xf32>, vector<16xf32>, vector<16xf32>, vector<16xf32>, vector<16xf32>, vector<16xf32>
            }
            %scan3A_180 = arith.constant 64 : i32
            %lt3A_181 = arith.constant 8.000000e+00 : f32
            %lt3A_182 = vector.broadcast %lt3A_181 : f32 to vector<16xf32>
            %lt3A_183 = arith.cmpf olt, %scan3A_179#0, %lt3A_182 : vector<16xf32>
            %select_n3A_184 = arith.select %lt3A_183, %add3A_2, %broadcast_in_dim3A_0 : vector<16xi1>, vector<16xf32>
            %get3A_185 = arith.constant 0 : index
            %get3A_186 = tpu.vector_load %arg7[%get3A_185] {strides = array<i32>} : memref<128xf32, #tpu.memory_space<vmem>>, vector<16xf32>,
            %get3A_187 = vector.shape_cast %get3A_186 : vector<16xf32> to vector<16xf32>
            %max3A = arith.maximumf %get3A_187, %select_n3A_184 : vector<16xf32>
            %swap3A_188 = arith.constant 0 : index
            %swap3A_189 = tpu.vector_load %arg7[%swap3A_188] {strides = array<i32>} : memref<128xf32, #tpu.memory_space<vmem>>, vector<16xf32>,
            %swap3A_190 = vector.shape_cast %swap3A_189 : vector<16xf32> to vector<16xf32>
            %swap3A_191 = vector.shape_cast %max3A : vector<16xf32> to vector<16xf32>
            tpu.vector_store %arg7[%swap3A_188], %swap3A_191 {strides = array<i32>} : memref<128xf32, #tpu.memory_space<vmem>>, vector<16xf32>,
            %lt3A_192 = arith.constant 0 : i32
            %lt3A_193 = vector.broadcast %lt3A_192 : i32 to vector<16xi32>
            %lt3A_194 = arith.cmpi slt, %select_n3A, %lt3A_193 : vector<16xi32>
            %add3A_195 = arith.constant 16 : i32
            %add3A_196 = vector.broadcast %add3A_195 : i32 to vector<16xi32>
            %add3A_197 = arith.addi %select_n3A, %add3A_196 : vector<16xi32>
            %select_n3A_198 = arith.select %lt3A_194, %add3A_197, %select_n3A : vector<16xi1>, vector<16xi32>
            %broadcast_in_dim3A_199 = vector.shape_cast %select_n3A_198 : vector<16xi32> to vector<16x1xi32>
            %gather3A = vector.shape_cast %broadcast_in_dim3A_199 : vector<16x1xi32> to vector<16xi32>
            %gather3A_200 = tpu.dynamic_gather %max3A[%gather3A] in [0] : vector<16xf32>, vector<16xi32> -> vector<16xf32>
            %max3A_201 = arith.maximumf %max3A, %gather3A_200 : vector<16xf32>
            %lt3A_202 = arith.constant 0 : i32
            %lt3A_203 = vector.broadcast %lt3A_202 : i32 to vector<16xi32>
            %lt3A_204 = arith.cmpi slt, %select_n3A_19, %lt3A_203 : vector<16xi32>
            %add3A_205 = arith.constant 16 : i32
            %add3A_206 = vector.broadcast %add3A_205 : i32 to vector<16xi32>
            %add3A_207 = arith.addi %select_n3A_19, %add3A_206 : vector<16xi32>
            %select_n3A_208 = arith.select %lt3A_204, %add3A_207, %select_n3A_19 : vector<16xi1>, vector<16xi32>
            %broadcast_in_dim3A_209 = vector.shape_cast %select_n3A_208 : vector<16xi32> to vector<16x1xi32>
            %gather3A_210 = vector.shape_cast %broadcast_in_dim3A_209 : vector<16x1xi32> to vector<16xi32>
            %gather3A_211 = tpu.dynamic_gather %max3A_201[%gather3A_210] in [0] : vector<16xf32>, vector<16xi32> -> vector<16xf32>
            %max3A_212 = arith.maximumf %max3A_201, %gather3A_211 : vector<16xf32>
            %lt3A_213 = arith.constant 0 : i32
            %lt3A_214 = vector.broadcast %lt3A_213 : i32 to vector<16xi32>
            %lt3A_215 = arith.cmpi slt, %select_n3A_29, %lt3A_214 : vector<16xi32>
            %add3A_216 = arith.constant 16 : i32
            %add3A_217 = vector.broadcast %add3A_216 : i32 to vector<16xi32>
            %add3A_218 = arith.addi %select_n3A_29, %add3A_217 : vector<16xi32>
            %select_n3A_219 = arith.select %lt3A_215, %add3A_218, %select_n3A_29 : vector<16xi1>, vector<16xi32>
            %broadcast_in_dim3A_220 = vector.shape_cast %select_n3A_219 : vector<16xi32> to vector<16x1xi32>
            %gather3A_221 = vector.shape_cast %broadcast_in_dim3A_220 : vector<16x1xi32> to vector<16xi32>
            %gather3A_222 = tpu.dynamic_gather %max3A_212[%gather3A_221] in [0] : vector<16xf32>, vector<16xi32> -> vector<16xf32>
            %max3A_223 = arith.maximumf %max3A_212, %gather3A_222 : vector<16xf32>
            %lt3A_224 = arith.constant 0 : i32
            %lt3A_225 = vector.broadcast %lt3A_224 : i32 to vector<16xi32>
            %lt3A_226 = arith.cmpi slt, %select_n3A_39, %lt3A_225 : vector<16xi32>
            %add3A_227 = arith.constant 16 : i32
            %add3A_228 = vector.broadcast %add3A_227 : i32 to vector<16xi32>
            %add3A_229 = arith.addi %select_n3A_39, %add3A_228 : vector<16xi32>
            %select_n3A_230 = arith.select %lt3A_226, %add3A_229, %select_n3A_39 : vector<16xi1>, vector<16xi32>
            %broadcast_in_dim3A_231 = vector.shape_cast %select_n3A_230 : vector<16xi32> to vector<16x1xi32>
            %gather3A_232 = vector.shape_cast %broadcast_in_dim3A_231 : vector<16x1xi32> to vector<16xi32>
            %gather3A_233 = tpu.dynamic_gather %max3A_223[%gather3A_232] in [0] : vector<16xf32>, vector<16xi32> -> vector<16xf32>
            %max3A_234 = arith.maximumf %max3A_223, %gather3A_233 : vector<16xf32>
            %min3A = arith.minimumf %add3A_2, %max3A_234 : vector<16xf32>
            %lt3A_235 = arith.constant 8.000000e+00 : f32
            %lt3A_236 = vector.broadcast %lt3A_235 : f32 to vector<16xf32>
            %lt3A_237 = arith.cmpf olt, %scan3A_179#1, %lt3A_236 : vector<16xf32>
            %select_n3A_238 = arith.select %lt3A_237, %add3A_2, %broadcast_in_dim3A_0 : vector<16xi1>, vector<16xf32>
            %get3A_239 = arith.constant 16 : index
            %get3A_240 = tpu.vector_load %arg7[%get3A_239] {strides = array<i32>} : memref<128xf32, #tpu.memory_space<vmem>>, vector<16xf32>,
            %get3A_241 = vector.shape_cast %get3A_240 : vector<16xf32> to vector<16xf32>
            %max3A_242 = arith.maximumf %get3A_241, %select_n3A_238 : vector<16xf32>
            %swap3A_243 = arith.constant 16 : index
            %swap3A_244 = tpu.vector_load %arg7[%swap3A_243] {strides = array<i32>} : memref<128xf32, #tpu.memory_space<vmem>>, vector<16xf32>,
            %swap3A_245 = vector.shape_cast %swap3A_244 : vector<16xf32> to vector<16xf32>
            %swap3A_246 = vector.shape_cast %max3A_242 : vector<16xf32> to vector<16xf32>
            tpu.vector_store %arg7[%swap3A_243], %swap3A_246 {strides = array<i32>} : memref<128xf32, #tpu.memory_space<vmem>>, vector<16xf32>,
            %lt3A_247 = arith.constant 0 : i32
            %lt3A_248 = vector.broadcast %lt3A_247 : i32 to vector<16xi32>
            %lt3A_249 = arith.cmpi slt, %select_n3A, %lt3A_248 : vector<16xi32>
            %add3A_250 = arith.constant 16 : i32
            %add3A_251 = vector.broadcast %add3A_250 : i32 to vector<16xi32>
            %add3A_252 = arith.addi %select_n3A, %add3A_251 : vector<16xi32>
            %select_n3A_253 = arith.select %lt3A_249, %add3A_252, %select_n3A : vector<16xi1>, vector<16xi32>
            %broadcast_in_dim3A_254 = vector.shape_cast %select_n3A_253 : vector<16xi32> to vector<16x1xi32>
            %gather3A_255 = vector.shape_cast %broadcast_in_dim3A_254 : vector<16x1xi32> to vector<16xi32>
            %gather3A_256 = tpu.dynamic_gather %max3A_242[%gather3A_255] in [0] : vector<16xf32>, vector<16xi32> -> vector<16xf32>
            %max3A_257 = arith.maximumf %max3A_242, %gather3A_256 : vector<16xf32>
            %lt3A_258 = arith.constant 0 : i32
            %lt3A_259 = vector.broadcast %lt3A_258 : i32 to vector<16xi32>
            %lt3A_260 = arith.cmpi slt, %select_n3A_19, %lt3A_259 : vector<16xi32>
            %add3A_261 = arith.constant 16 : i32
            %add3A_262 = vector.broadcast %add3A_261 : i32 to vector<16xi32>
            %add3A_263 = arith.addi %select_n3A_19, %add3A_262 : vector<16xi32>
            %select_n3A_264 = arith.select %lt3A_260, %add3A_263, %select_n3A_19 : vector<16xi1>, vector<16xi32>
            %broadcast_in_dim3A_265 = vector.shape_cast %select_n3A_264 : vector<16xi32> to vector<16x1xi32>
            %gather3A_266 = vector.shape_cast %broadcast_in_dim3A_265 : vector<16x1xi32> to vector<16xi32>
            %gather3A_267 = tpu.dynamic_gather %max3A_257[%gather3A_266] in [0] : vector<16xf32>, vector<16xi32> -> vector<16xf32>
            %max3A_268 = arith.maximumf %max3A_257, %gather3A_267 : vector<16xf32>
            %lt3A_269 = arith.constant 0 : i32
            %lt3A_270 = vector.broadcast %lt3A_269 : i32 to vector<16xi32>
            %lt3A_271 = arith.cmpi slt, %select_n3A_29, %lt3A_270 : vector<16xi32>
            %add3A_272 = arith.constant 16 : i32
            %add3A_273 = vector.broadcast %add3A_272 : i32 to vector<16xi32>
            %add3A_274 = arith.addi %select_n3A_29, %add3A_273 : vector<16xi32>
            %select_n3A_275 = arith.select %lt3A_271, %add3A_274, %select_n3A_29 : vector<16xi1>, vector<16xi32>
            %broadcast_in_dim3A_276 = vector.shape_cast %select_n3A_275 : vector<16xi32> to vector<16x1xi32>
            %gather3A_277 = vector.shape_cast %broadcast_in_dim3A_276 : vector<16x1xi32> to vector<16xi32>
            %gather3A_278 = tpu.dynamic_gather %max3A_268[%gather3A_277] in [0] : vector<16xf32>, vector<16xi32> -> vector<16xf32>
            %max3A_279 = arith.maximumf %max3A_268, %gather3A_278 : vector<16xf32>
            %lt3A_280 = arith.constant 0 : i32
            %lt3A_281 = vector.broadcast %lt3A_280 : i32 to vector<16xi32>
            %lt3A_282 = arith.cmpi slt, %select_n3A_39, %lt3A_281 : vector<16xi32>
            %add3A_283 = arith.constant 16 : i32
            %add3A_284 = vector.broadcast %add3A_283 : i32 to vector<16xi32>
            %add3A_285 = arith.addi %select_n3A_39, %add3A_284 : vector<16xi32>
            %select_n3A_286 = arith.select %lt3A_282, %add3A_285, %select_n3A_39 : vector<16xi1>, vector<16xi32>
            %broadcast_in_dim3A_287 = vector.shape_cast %select_n3A_286 : vector<16xi32> to vector<16x1xi32>
            %gather3A_288 = vector.shape_cast %broadcast_in_dim3A_287 : vector<16x1xi32> to vector<16xi32>
            %gather3A_289 = tpu.dynamic_gather %max3A_279[%gather3A_288] in [0] : vector<16xf32>, vector<16xi32> -> vector<16xf32>
            %max3A_290 = arith.maximumf %max3A_279, %gather3A_289 : vector<16xf32>
            %min3A_291 = arith.minimumf %min3A, %max3A_290 : vector<16xf32>
            %lt3A_292 = arith.constant 8.000000e+00 : f32
            %lt3A_293 = vector.broadcast %lt3A_292 : f32 to vector<16xf32>
            %lt3A_294 = arith.cmpf olt, %scan3A_179#2, %lt3A_293 : vector<16xf32>
            %select_n3A_295 = arith.select %lt3A_294, %add3A_2, %broadcast_in_dim3A_0 : vector<16xi1>, vector<16xf32>
            %get3A_296 = arith.constant 32 : index
            %get3A_297 = tpu.vector_load %arg7[%get3A_296] {strides = array<i32>} : memref<128xf32, #tpu.memory_space<vmem>>, vector<16xf32>,
            %get3A_298 = vector.shape_cast %get3A_297 : vector<16xf32> to vector<16xf32>
            %max3A_299 = arith.maximumf %get3A_298, %select_n3A_295 : vector<16xf32>
            %swap3A_300 = arith.constant 32 : index
            %swap3A_301 = tpu.vector_load %arg7[%swap3A_300] {strides = array<i32>} : memref<128xf32, #tpu.memory_space<vmem>>, vector<16xf32>,
            %swap3A_302 = vector.shape_cast %swap3A_301 : vector<16xf32> to vector<16xf32>
            %swap3A_303 = vector.shape_cast %max3A_299 : vector<16xf32> to vector<16xf32>
            tpu.vector_store %arg7[%swap3A_300], %swap3A_303 {strides = array<i32>} : memref<128xf32, #tpu.memory_space<vmem>>, vector<16xf32>,
            %lt3A_304 = arith.constant 0 : i32
            %lt3A_305 = vector.broadcast %lt3A_304 : i32 to vector<16xi32>
            %lt3A_306 = arith.cmpi slt, %select_n3A, %lt3A_305 : vector<16xi32>
            %add3A_307 = arith.constant 16 : i32
            %add3A_308 = vector.broadcast %add3A_307 : i32 to vector<16xi32>
            %add3A_309 = arith.addi %select_n3A, %add3A_308 : vector<16xi32>
            %select_n3A_310 = arith.select %lt3A_306, %add3A_309, %select_n3A : vector<16xi1>, vector<16xi32>
            %broadcast_in_dim3A_311 = vector.shape_cast %select_n3A_310 : vector<16xi32> to vector<16x1xi32>
            %gather3A_312 = vector.shape_cast %broadcast_in_dim3A_311 : vector<16x1xi32> to vector<16xi32>
            %gather3A_313 = tpu.dynamic_gather %max3A_299[%gather3A_312] in [0] : vector<16xf32>, vector<16xi32> -> vector<16xf32>
            %max3A_314 = arith.maximumf %max3A_299, %gather3A_313 : vector<16xf32>
            %lt3A_315 = arith.constant 0 : i32
            %lt3A_316 = vector.broadcast %lt3A_315 : i32 to vector<16xi32>
            %lt3A_317 = arith.cmpi slt, %select_n3A_19, %lt3A_316 : vector<16xi32>
            %add3A_318 = arith.constant 16 : i32
            %add3A_319 = vector.broadcast %add3A_318 : i32 to vector<16xi32>
            %add3A_320 = arith.addi %select_n3A_19, %add3A_319 : vector<16xi32>
            %select_n3A_321 = arith.select %lt3A_317, %add3A_320, %select_n3A_19 : vector<16xi1>, vector<16xi32>
            %broadcast_in_dim3A_322 = vector.shape_cast %select_n3A_321 : vector<16xi32> to vector<16x1xi32>
            %gather3A_323 = vector.shape_cast %broadcast_in_dim3A_322 : vector<16x1xi32> to vector<16xi32>
            %gather3A_324 = tpu.dynamic_gather %max3A_314[%gather3A_323] in [0] : vector<16xf32>, vector<16xi32> -> vector<16xf32>
            %max3A_325 = arith.maximumf %max3A_314, %gather3A_324 : vector<16xf32>
            %lt3A_326 = arith.constant 0 : i32
            %lt3A_327 = vector.broadcast %lt3A_326 : i32 to vector<16xi32>
            %lt3A_328 = arith.cmpi slt, %select_n3A_29, %lt3A_327 : vector<16xi32>
            %add3A_329 = arith.constant 16 : i32
            %add3A_330 = vector.broadcast %add3A_329 : i32 to vector<16xi32>
            %add3A_331 = arith.addi %select_n3A_29, %add3A_330 : vector<16xi32>
            %select_n3A_332 = arith.select %lt3A_328, %add3A_331, %select_n3A_29 : vector<16xi1>, vector<16xi32>
            %broadcast_in_dim3A_333 = vector.shape_cast %select_n3A_332 : vector<16xi32> to vector<16x1xi32>
            %gather3A_334 = vector.shape_cast %broadcast_in_dim3A_333 : vector<16x1xi32> to vector<16xi32>
            %gather3A_335 = tpu.dynamic_gather %max3A_325[%gather3A_334] in [0] : vector<16xf32>, vector<16xi32> -> vector<16xf32>
            %max3A_336 = arith.maximumf %max3A_325, %gather3A_335 : vector<16xf32>
            %lt3A_337 = arith.constant 0 : i32
            %lt3A_338 = vector.broadcast %lt3A_337 : i32 to vector<16xi32>
            %lt3A_339 = arith.cmpi slt, %select_n3A_39, %lt3A_338 : vector<16xi32>
            %add3A_340 = arith.constant 16 : i32
            %add3A_341 = vector.broadcast %add3A_340 : i32 to vector<16xi32>
            %add3A_342 = arith.addi %select_n3A_39, %add3A_341 : vector<16xi32>
            %select_n3A_343 = arith.select %lt3A_339, %add3A_342, %select_n3A_39 : vector<16xi1>, vector<16xi32>
            %broadcast_in_dim3A_344 = vector.shape_cast %select_n3A_343 : vector<16xi32> to vector<16x1xi32>
            %gather3A_345 = vector.shape_cast %broadcast_in_dim3A_344 : vector<16x1xi32> to vector<16xi32>
            %gather3A_346 = tpu.dynamic_gather %max3A_336[%gather3A_345] in [0] : vector<16xf32>, vector<16xi32> -> vector<16xf32>
            %max3A_347 = arith.maximumf %max3A_336, %gather3A_346 : vector<16xf32>
            %min3A_348 = arith.minimumf %min3A_291, %max3A_347 : vector<16xf32>
            %lt3A_349 = arith.constant 8.000000e+00 : f32
            %lt3A_350 = vector.broadcast %lt3A_349 : f32 to vector<16xf32>
            %lt3A_351 = arith.cmpf olt, %scan3A_179#3, %lt3A_350 : vector<16xf32>
            %select_n3A_352 = arith.select %lt3A_351, %add3A_2, %broadcast_in_dim3A_0 : vector<16xi1>, vector<16xf32>
            %get3A_353 = arith.constant 48 : index
            %get3A_354 = tpu.vector_load %arg7[%get3A_353] {strides = array<i32>} : memref<128xf32, #tpu.memory_space<vmem>>, vector<16xf32>,
            %get3A_355 = vector.shape_cast %get3A_354 : vector<16xf32> to vector<16xf32>
            %max3A_356 = arith.maximumf %get3A_355, %select_n3A_352 : vector<16xf32>
            %swap3A_357 = arith.constant 48 : index
            %swap3A_358 = tpu.vector_load %arg7[%swap3A_357] {strides = array<i32>} : memref<128xf32, #tpu.memory_space<vmem>>, vector<16xf32>,
            %swap3A_359 = vector.shape_cast %swap3A_358 : vector<16xf32> to vector<16xf32>
            %swap3A_360 = vector.shape_cast %max3A_356 : vector<16xf32> to vector<16xf32>
            tpu.vector_store %arg7[%swap3A_357], %swap3A_360 {strides = array<i32>} : memref<128xf32, #tpu.memory_space<vmem>>, vector<16xf32>,
            %lt3A_361 = arith.constant 0 : i32
            %lt3A_362 = vector.broadcast %lt3A_361 : i32 to vector<16xi32>
            %lt3A_363 = arith.cmpi slt, %select_n3A, %lt3A_362 : vector<16xi32>
            %add3A_364 = arith.constant 16 : i32
            %add3A_365 = vector.broadcast %add3A_364 : i32 to vector<16xi32>
            %add3A_366 = arith.addi %select_n3A, %add3A_365 : vector<16xi32>
            %select_n3A_367 = arith.select %lt3A_363, %add3A_366, %select_n3A : vector<16xi1>, vector<16xi32>
            %broadcast_in_dim3A_368 = vector.shape_cast %select_n3A_367 : vector<16xi32> to vector<16x1xi32>
            %gather3A_369 = vector.shape_cast %broadcast_in_dim3A_368 : vector<16x1xi32> to vector<16xi32>
            %gather3A_370 = tpu.dynamic_gather %max3A_356[%gather3A_369] in [0] : vector<16xf32>, vector<16xi32> -> vector<16xf32>
            %max3A_371 = arith.maximumf %max3A_356, %gather3A_370 : vector<16xf32>
            %lt3A_372 = arith.constant 0 : i32
            %lt3A_373 = vector.broadcast %lt3A_372 : i32 to vector<16xi32>
            %lt3A_374 = arith.cmpi slt, %select_n3A_19, %lt3A_373 : vector<16xi32>
            %add3A_375 = arith.constant 16 : i32
            %add3A_376 = vector.broadcast %add3A_375 : i32 to vector<16xi32>
            %add3A_377 = arith.addi %select_n3A_19, %add3A_376 : vector<16xi32>
            %select_n3A_378 = arith.select %lt3A_374, %add3A_377, %select_n3A_19 : vector<16xi1>, vector<16xi32>
            %broadcast_in_dim3A_379 = vector.shape_cast %select_n3A_378 : vector<16xi32> to vector<16x1xi32>
            %gather3A_380 = vector.shape_cast %broadcast_in_dim3A_379 : vector<16x1xi32> to vector<16xi32>
            %gather3A_381 = tpu.dynamic_gather %max3A_371[%gather3A_380] in [0] : vector<16xf32>, vector<16xi32> -> vector<16xf32>
            %max3A_382 = arith.maximumf %max3A_371, %gather3A_381 : vector<16xf32>
            %lt3A_383 = arith.constant 0 : i32
            %lt3A_384 = vector.broadcast %lt3A_383 : i32 to vector<16xi32>
            %lt3A_385 = arith.cmpi slt, %select_n3A_29, %lt3A_384 : vector<16xi32>
            %add3A_386 = arith.constant 16 : i32
            %add3A_387 = vector.broadcast %add3A_386 : i32 to vector<16xi32>
            %add3A_388 = arith.addi %select_n3A_29, %add3A_387 : vector<16xi32>
            %select_n3A_389 = arith.select %lt3A_385, %add3A_388, %select_n3A_29 : vector<16xi1>, vector<16xi32>
            %broadcast_in_dim3A_390 = vector.shape_cast %select_n3A_389 : vector<16xi32> to vector<16x1xi32>
            %gather3A_391 = vector.shape_cast %broadcast_in_dim3A_390 : vector<16x1xi32> to vector<16xi32>
            %gather3A_392 = tpu.dynamic_gather %max3A_382[%gather3A_391] in [0] : vector<16xf32>, vector<16xi32> -> vector<16xf32>
            %max3A_393 = arith.maximumf %max3A_382, %gather3A_392 : vector<16xf32>
            %lt3A_394 = arith.constant 0 : i32
            %lt3A_395 = vector.broadcast %lt3A_394 : i32 to vector<16xi32>
            %lt3A_396 = arith.cmpi slt, %select_n3A_39, %lt3A_395 : vector<16xi32>
            %add3A_397 = arith.constant 16 : i32
            %add3A_398 = vector.broadcast %add3A_397 : i32 to vector<16xi32>
            %add3A_399 = arith.addi %select_n3A_39, %add3A_398 : vector<16xi32>
            %select_n3A_400 = arith.select %lt3A_396, %add3A_399, %select_n3A_39 : vector<16xi1>, vector<16xi32>
            %broadcast_in_dim3A_401 = vector.shape_cast %select_n3A_400 : vector<16xi32> to vector<16x1xi32>
            %gather3A_402 = vector.shape_cast %broadcast_in_dim3A_401 : vector<16x1xi32> to vector<16xi32>
            %gather3A_403 = tpu.dynamic_gather %max3A_393[%gather3A_402] in [0] : vector<16xf32>, vector<16xi32> -> vector<16xf32>
            %max3A_404 = arith.maximumf %max3A_393, %gather3A_403 : vector<16xf32>
            %min3A_405 = arith.minimumf %min3A_348, %max3A_404 : vector<16xf32>
            %lt3A_406 = arith.constant 8.000000e+00 : f32
            %lt3A_407 = vector.broadcast %lt3A_406 : f32 to vector<16xf32>
            %lt3A_408 = arith.cmpf olt, %scan3A_179#4, %lt3A_407 : vector<16xf32>
            %select_n3A_409 = arith.select %lt3A_408, %add3A_2, %broadcast_in_dim3A_0 : vector<16xi1>, vector<16xf32>
            %get3A_410 = arith.constant 64 : index
            %get3A_411 = tpu.vector_load %arg7[%get3A_410] {strides = array<i32>} : memref<128xf32, #tpu.memory_space<vmem>>, vector<16xf32>,
            %get3A_412 = vector.shape_cast %get3A_411 : vector<16xf32> to vector<16xf32>
            %max3A_413 = arith.maximumf %get3A_412, %select_n3A_409 : vector<16xf32>
            %swap3A_414 = arith.constant 64 : index
            %swap3A_415 = tpu.vector_load %arg7[%swap3A_414] {strides = array<i32>} : memref<128xf32, #tpu.memory_space<vmem>>, vector<16xf32>,
            %swap3A_416 = vector.shape_cast %swap3A_415 : vector<16xf32> to vector<16xf32>
            %swap3A_417 = vector.shape_cast %max3A_413 : vector<16xf32> to vector<16xf32>
            tpu.vector_store %arg7[%swap3A_414], %swap3A_417 {strides = array<i32>} : memref<128xf32, #tpu.memory_space<vmem>>, vector<16xf32>,
            %lt3A_418 = arith.constant 0 : i32
            %lt3A_419 = vector.broadcast %lt3A_418 : i32 to vector<16xi32>
            %lt3A_420 = arith.cmpi slt, %select_n3A, %lt3A_419 : vector<16xi32>
            %add3A_421 = arith.constant 16 : i32
            %add3A_422 = vector.broadcast %add3A_421 : i32 to vector<16xi32>
            %add3A_423 = arith.addi %select_n3A, %add3A_422 : vector<16xi32>
            %select_n3A_424 = arith.select %lt3A_420, %add3A_423, %select_n3A : vector<16xi1>, vector<16xi32>
            %broadcast_in_dim3A_425 = vector.shape_cast %select_n3A_424 : vector<16xi32> to vector<16x1xi32>
            %gather3A_426 = vector.shape_cast %broadcast_in_dim3A_425 : vector<16x1xi32> to vector<16xi32>
            %gather3A_427 = tpu.dynamic_gather %max3A_413[%gather3A_426] in [0] : vector<16xf32>, vector<16xi32> -> vector<16xf32>
            %max3A_428 = arith.maximumf %max3A_413, %gather3A_427 : vector<16xf32>
            %lt3A_429 = arith.constant 0 : i32
            %lt3A_430 = vector.broadcast %lt3A_429 : i32 to vector<16xi32>
            %lt3A_431 = arith.cmpi slt, %select_n3A_19, %lt3A_430 : vector<16xi32>
            %add3A_432 = arith.constant 16 : i32
            %add3A_433 = vector.broadcast %add3A_432 : i32 to vector<16xi32>
            %add3A_434 = arith.addi %select_n3A_19, %add3A_433 : vector<16xi32>
            %select_n3A_435 = arith.select %lt3A_431, %add3A_434, %select_n3A_19 : vector<16xi1>, vector<16xi32>
            %broadcast_in_dim3A_436 = vector.shape_cast %select_n3A_435 : vector<16xi32> to vector<16x1xi32>
            %gather3A_437 = vector.shape_cast %broadcast_in_dim3A_436 : vector<16x1xi32> to vector<16xi32>
            %gather3A_438 = tpu.dynamic_gather %max3A_428[%gather3A_437] in [0] : vector<16xf32>, vector<16xi32> -> vector<16xf32>
            %max3A_439 = arith.maximumf %max3A_428, %gather3A_438 : vector<16xf32>
            %lt3A_440 = arith.constant 0 : i32
            %lt3A_441 = vector.broadcast %lt3A_440 : i32 to vector<16xi32>
            %lt3A_442 = arith.cmpi slt, %select_n3A_29, %lt3A_441 : vector<16xi32>
            %add3A_443 = arith.constant 16 : i32
            %add3A_444 = vector.broadcast %add3A_443 : i32 to vector<16xi32>
            %add3A_445 = arith.addi %select_n3A_29, %add3A_444 : vector<16xi32>
            %select_n3A_446 = arith.select %lt3A_442, %add3A_445, %select_n3A_29 : vector<16xi1>, vector<16xi32>
            %broadcast_in_dim3A_447 = vector.shape_cast %select_n3A_446 : vector<16xi32> to vector<16x1xi32>
            %gather3A_448 = vector.shape_cast %broadcast_in_dim3A_447 : vector<16x1xi32> to vector<16xi32>
            %gather3A_449 = tpu.dynamic_gather %max3A_439[%gather3A_448] in [0] : vector<16xf32>, vector<16xi32> -> vector<16xf32>
            %max3A_450 = arith.maximumf %max3A_439, %gather3A_449 : vector<16xf32>
            %lt3A_451 = arith.constant 0 : i32
            %lt3A_452 = vector.broadcast %lt3A_451 : i32 to vector<16xi32>
            %lt3A_453 = arith.cmpi slt, %select_n3A_39, %lt3A_452 : vector<16xi32>
            %add3A_454 = arith.constant 16 : i32
            %add3A_455 = vector.broadcast %add3A_454 : i32 to vector<16xi32>
            %add3A_456 = arith.addi %select_n3A_39, %add3A_455 : vector<16xi32>
            %select_n3A_457 = arith.select %lt3A_453, %add3A_456, %select_n3A_39 : vector<16xi1>, vector<16xi32>
            %broadcast_in_dim3A_458 = vector.shape_cast %select_n3A_457 : vector<16xi32> to vector<16x1xi32>
            %gather3A_459 = vector.shape_cast %broadcast_in_dim3A_458 : vector<16x1xi32> to vector<16xi32>
            %gather3A_460 = tpu.dynamic_gather %max3A_450[%gather3A_459] in [0] : vector<16xf32>, vector<16xi32> -> vector<16xf32>
            %max3A_461 = arith.maximumf %max3A_450, %gather3A_460 : vector<16xf32>
            %min3A_462 = arith.minimumf %min3A_405, %max3A_461 : vector<16xf32>
            %lt3A_463 = arith.constant 8.000000e+00 : f32
            %lt3A_464 = vector.broadcast %lt3A_463 : f32 to vector<16xf32>
            %lt3A_465 = arith.cmpf olt, %scan3A_179#5, %lt3A_464 : vector<16xf32>
            %select_n3A_466 = arith.select %lt3A_465, %add3A_2, %broadcast_in_dim3A_0 : vector<16xi1>, vector<16xf32>
            %get3A_467 = arith.constant 80 : index
            %get3A_468 = tpu.vector_load %arg7[%get3A_467] {strides = array<i32>} : memref<128xf32, #tpu.memory_space<vmem>>, vector<16xf32>,
            %get3A_469 = vector.shape_cast %get3A_468 : vector<16xf32> to vector<16xf32>
            %max3A_470 = arith.maximumf %get3A_469, %select_n3A_466 : vector<16xf32>
            %swap3A_471 = arith.constant 80 : index
            %swap3A_472 = tpu.vector_load %arg7[%swap3A_471] {strides = array<i32>} : memref<128xf32, #tpu.memory_space<vmem>>, vector<16xf32>,
            %swap3A_473 = vector.shape_cast %swap3A_472 : vector<16xf32> to vector<16xf32>
            %swap3A_474 = vector.shape_cast %max3A_470 : vector<16xf32> to vector<16xf32>
            tpu.vector_store %arg7[%swap3A_471], %swap3A_474 {strides = array<i32>} : memref<128xf32, #tpu.memory_space<vmem>>, vector<16xf32>,
            %lt3A_475 = arith.constant 0 : i32
            %lt3A_476 = vector.broadcast %lt3A_475 : i32 to vector<16xi32>
            %lt3A_477 = arith.cmpi slt, %select_n3A, %lt3A_476 : vector<16xi32>
            %add3A_478 = arith.constant 16 : i32
            %add3A_479 = vector.broadcast %add3A_478 : i32 to vector<16xi32>
            %add3A_480 = arith.addi %select_n3A, %add3A_479 : vector<16xi32>
            %select_n3A_481 = arith.select %lt3A_477, %add3A_480, %select_n3A : vector<16xi1>, vector<16xi32>
            %broadcast_in_dim3A_482 = vector.shape_cast %select_n3A_481 : vector<16xi32> to vector<16x1xi32>
            %gather3A_483 = vector.shape_cast %broadcast_in_dim3A_482 : vector<16x1xi32> to vector<16xi32>
            %gather3A_484 = tpu.dynamic_gather %max3A_470[%gather3A_483] in [0] : vector<16xf32>, vector<16xi32> -> vector<16xf32>
            %max3A_485 = arith.maximumf %max3A_470, %gather3A_484 : vector<16xf32>
            %lt3A_486 = arith.constant 0 : i32
            %lt3A_487 = vector.broadcast %lt3A_486 : i32 to vector<16xi32>
            %lt3A_488 = arith.cmpi slt, %select_n3A_19, %lt3A_487 : vector<16xi32>
            %add3A_489 = arith.constant 16 : i32
            %add3A_490 = vector.broadcast %add3A_489 : i32 to vector<16xi32>
            %add3A_491 = arith.addi %select_n3A_19, %add3A_490 : vector<16xi32>
            %select_n3A_492 = arith.select %lt3A_488, %add3A_491, %select_n3A_19 : vector<16xi1>, vector<16xi32>
            %broadcast_in_dim3A_493 = vector.shape_cast %select_n3A_492 : vector<16xi32> to vector<16x1xi32>
            %gather3A_494 = vector.shape_cast %broadcast_in_dim3A_493 : vector<16x1xi32> to vector<16xi32>
            %gather3A_495 = tpu.dynamic_gather %max3A_485[%gather3A_494] in [0] : vector<16xf32>, vector<16xi32> -> vector<16xf32>
            %max3A_496 = arith.maximumf %max3A_485, %gather3A_495 : vector<16xf32>
            %lt3A_497 = arith.constant 0 : i32
            %lt3A_498 = vector.broadcast %lt3A_497 : i32 to vector<16xi32>
            %lt3A_499 = arith.cmpi slt, %select_n3A_29, %lt3A_498 : vector<16xi32>
            %add3A_500 = arith.constant 16 : i32
            %add3A_501 = vector.broadcast %add3A_500 : i32 to vector<16xi32>
            %add3A_502 = arith.addi %select_n3A_29, %add3A_501 : vector<16xi32>
            %select_n3A_503 = arith.select %lt3A_499, %add3A_502, %select_n3A_29 : vector<16xi1>, vector<16xi32>
            %broadcast_in_dim3A_504 = vector.shape_cast %select_n3A_503 : vector<16xi32> to vector<16x1xi32>
            %gather3A_505 = vector.shape_cast %broadcast_in_dim3A_504 : vector<16x1xi32> to vector<16xi32>
            %gather3A_506 = tpu.dynamic_gather %max3A_496[%gather3A_505] in [0] : vector<16xf32>, vector<16xi32> -> vector<16xf32>
            %max3A_507 = arith.maximumf %max3A_496, %gather3A_506 : vector<16xf32>
            %lt3A_508 = arith.constant 0 : i32
            %lt3A_509 = vector.broadcast %lt3A_508 : i32 to vector<16xi32>
            %lt3A_510 = arith.cmpi slt, %select_n3A_39, %lt3A_509 : vector<16xi32>
            %add3A_511 = arith.constant 16 : i32
            %add3A_512 = vector.broadcast %add3A_511 : i32 to vector<16xi32>
            %add3A_513 = arith.addi %select_n3A_39, %add3A_512 : vector<16xi32>
            %select_n3A_514 = arith.select %lt3A_510, %add3A_513, %select_n3A_39 : vector<16xi1>, vector<16xi32>
            %broadcast_in_dim3A_515 = vector.shape_cast %select_n3A_514 : vector<16xi32> to vector<16x1xi32>
            %gather3A_516 = vector.shape_cast %broadcast_in_dim3A_515 : vector<16x1xi32> to vector<16xi32>
            %gather3A_517 = tpu.dynamic_gather %max3A_507[%gather3A_516] in [0] : vector<16xf32>, vector<16xi32> -> vector<16xf32>
            %max3A_518 = arith.maximumf %max3A_507, %gather3A_517 : vector<16xf32>
            %min3A_519 = arith.minimumf %min3A_462, %max3A_518 : vector<16xf32>
            %lt3A_520 = arith.constant 8.000000e+00 : f32
            %lt3A_521 = vector.broadcast %lt3A_520 : f32 to vector<16xf32>
            %lt3A_522 = arith.cmpf olt, %scan3A_179#6, %lt3A_521 : vector<16xf32>
            %select_n3A_523 = arith.select %lt3A_522, %add3A_2, %broadcast_in_dim3A_0 : vector<16xi1>, vector<16xf32>
            %get3A_524 = arith.constant 96 : index
            %get3A_525 = tpu.vector_load %arg7[%get3A_524] {strides = array<i32>} : memref<128xf32, #tpu.memory_space<vmem>>, vector<16xf32>,
            %get3A_526 = vector.shape_cast %get3A_525 : vector<16xf32> to vector<16xf32>
            %max3A_527 = arith.maximumf %get3A_526, %select_n3A_523 : vector<16xf32>
            %swap3A_528 = arith.constant 96 : index
            %swap3A_529 = tpu.vector_load %arg7[%swap3A_528] {strides = array<i32>} : memref<128xf32, #tpu.memory_space<vmem>>, vector<16xf32>,
            %swap3A_530 = vector.shape_cast %swap3A_529 : vector<16xf32> to vector<16xf32>
            %swap3A_531 = vector.shape_cast %max3A_527 : vector<16xf32> to vector<16xf32>
            tpu.vector_store %arg7[%swap3A_528], %swap3A_531 {strides = array<i32>} : memref<128xf32, #tpu.memory_space<vmem>>, vector<16xf32>,
            %lt3A_532 = arith.constant 0 : i32
            %lt3A_533 = vector.broadcast %lt3A_532 : i32 to vector<16xi32>
            %lt3A_534 = arith.cmpi slt, %select_n3A, %lt3A_533 : vector<16xi32>
            %add3A_535 = arith.constant 16 : i32
            %add3A_536 = vector.broadcast %add3A_535 : i32 to vector<16xi32>
            %add3A_537 = arith.addi %select_n3A, %add3A_536 : vector<16xi32>
            %select_n3A_538 = arith.select %lt3A_534, %add3A_537, %select_n3A : vector<16xi1>, vector<16xi32>
            %broadcast_in_dim3A_539 = vector.shape_cast %select_n3A_538 : vector<16xi32> to vector<16x1xi32>
            %gather3A_540 = vector.shape_cast %broadcast_in_dim3A_539 : vector<16x1xi32> to vector<16xi32>
            %gather3A_541 = tpu.dynamic_gather %max3A_527[%gather3A_540] in [0] : vector<16xf32>, vector<16xi32> -> vector<16xf32>
            %max3A_542 = arith.maximumf %max3A_527, %gather3A_541 : vector<16xf32>
            %lt3A_543 = arith.constant 0 : i32
            %lt3A_544 = vector.broadcast %lt3A_543 : i32 to vector<16xi32>
            %lt3A_545 = arith.cmpi slt, %select_n3A_19, %lt3A_544 : vector<16xi32>
            %add3A_546 = arith.constant 16 : i32
            %add3A_547 = vector.broadcast %add3A_546 : i32 to vector<16xi32>
            %add3A_548 = arith.addi %select_n3A_19, %add3A_547 : vector<16xi32>
            %select_n3A_549 = arith.select %lt3A_545, %add3A_548, %select_n3A_19 : vector<16xi1>, vector<16xi32>
            %broadcast_in_dim3A_550 = vector.shape_cast %select_n3A_549 : vector<16xi32> to vector<16x1xi32>
            %gather3A_551 = vector.shape_cast %broadcast_in_dim3A_550 : vector<16x1xi32> to vector<16xi32>
            %gather3A_552 = tpu.dynamic_gather %max3A_542[%gather3A_551] in [0] : vector<16xf32>, vector<16xi32> -> vector<16xf32>
            %max3A_553 = arith.maximumf %max3A_542, %gather3A_552 : vector<16xf32>
            %lt3A_554 = arith.constant 0 : i32
            %lt3A_555 = vector.broadcast %lt3A_554 : i32 to vector<16xi32>
            %lt3A_556 = arith.cmpi slt, %select_n3A_29, %lt3A_555 : vector<16xi32>
            %add3A_557 = arith.constant 16 : i32
            %add3A_558 = vector.broadcast %add3A_557 : i32 to vector<16xi32>
            %add3A_559 = arith.addi %select_n3A_29, %add3A_558 : vector<16xi32>
            %select_n3A_560 = arith.select %lt3A_556, %add3A_559, %select_n3A_29 : vector<16xi1>, vector<16xi32>
            %broadcast_in_dim3A_561 = vector.shape_cast %select_n3A_560 : vector<16xi32> to vector<16x1xi32>
            %gather3A_562 = vector.shape_cast %broadcast_in_dim3A_561 : vector<16x1xi32> to vector<16xi32>
            %gather3A_563 = tpu.dynamic_gather %max3A_553[%gather3A_562] in [0] : vector<16xf32>, vector<16xi32> -> vector<16xf32>
            %max3A_564 = arith.maximumf %max3A_553, %gather3A_563 : vector<16xf32>
            %lt3A_565 = arith.constant 0 : i32
            %lt3A_566 = vector.broadcast %lt3A_565 : i32 to vector<16xi32>
            %lt3A_567 = arith.cmpi slt, %select_n3A_39, %lt3A_566 : vector<16xi32>
            %add3A_568 = arith.constant 16 : i32
            %add3A_569 = vector.broadcast %add3A_568 : i32 to vector<16xi32>
            %add3A_570 = arith.addi %select_n3A_39, %add3A_569 : vector<16xi32>
            %select_n3A_571 = arith.select %lt3A_567, %add3A_570, %select_n3A_39 : vector<16xi1>, vector<16xi32>
            %broadcast_in_dim3A_572 = vector.shape_cast %select_n3A_571 : vector<16xi32> to vector<16x1xi32>
            %gather3A_573 = vector.shape_cast %broadcast_in_dim3A_572 : vector<16x1xi32> to vector<16xi32>
            %gather3A_574 = tpu.dynamic_gather %max3A_564[%gather3A_573] in [0] : vector<16xf32>, vector<16xi32> -> vector<16xf32>
            %max3A_575 = arith.maximumf %max3A_564, %gather3A_574 : vector<16xf32>
            %min3A_576 = arith.minimumf %min3A_519, %max3A_575 : vector<16xf32>
            %lt3A_577 = arith.constant 8.000000e+00 : f32
            %lt3A_578 = vector.broadcast %lt3A_577 : f32 to vector<16xf32>
            %lt3A_579 = arith.cmpf olt, %scan3A_179#7, %lt3A_578 : vector<16xf32>
            %select_n3A_580 = arith.select %lt3A_579, %add3A_2, %broadcast_in_dim3A_0 : vector<16xi1>, vector<16xf32>
            %get3A_581 = arith.constant 112 : index
            %get3A_582 = tpu.vector_load %arg7[%get3A_581] {strides = array<i32>} : memref<128xf32, #tpu.memory_space<vmem>>, vector<16xf32>,
            %get3A_583 = vector.shape_cast %get3A_582 : vector<16xf32> to vector<16xf32>
            %max3A_584 = arith.maximumf %get3A_583, %select_n3A_580 : vector<16xf32>
            %swap3A_585 = arith.constant 112 : index
            %swap3A_586 = tpu.vector_load %arg7[%swap3A_585] {strides = array<i32>} : memref<128xf32, #tpu.memory_space<vmem>>, vector<16xf32>,
            %swap3A_587 = vector.shape_cast %swap3A_586 : vector<16xf32> to vector<16xf32>
            %swap3A_588 = vector.shape_cast %max3A_584 : vector<16xf32> to vector<16xf32>
            tpu.vector_store %arg7[%swap3A_585], %swap3A_588 {strides = array<i32>} : memref<128xf32, #tpu.memory_space<vmem>>, vector<16xf32>,
            %lt3A_589 = arith.constant 0 : i32
            %lt3A_590 = vector.broadcast %lt3A_589 : i32 to vector<16xi32>
            %lt3A_591 = arith.cmpi slt, %select_n3A, %lt3A_590 : vector<16xi32>
            %add3A_592 = arith.constant 16 : i32
            %add3A_593 = vector.broadcast %add3A_592 : i32 to vector<16xi32>
            %add3A_594 = arith.addi %select_n3A, %add3A_593 : vector<16xi32>
            %select_n3A_595 = arith.select %lt3A_591, %add3A_594, %select_n3A : vector<16xi1>, vector<16xi32>
            %broadcast_in_dim3A_596 = vector.shape_cast %select_n3A_595 : vector<16xi32> to vector<16x1xi32>
            %gather3A_597 = vector.shape_cast %broadcast_in_dim3A_596 : vector<16x1xi32> to vector<16xi32>
            %gather3A_598 = tpu.dynamic_gather %max3A_584[%gather3A_597] in [0] : vector<16xf32>, vector<16xi32> -> vector<16xf32>
            %max3A_599 = arith.maximumf %max3A_584, %gather3A_598 : vector<16xf32>
            %lt3A_600 = arith.constant 0 : i32
            %lt3A_601 = vector.broadcast %lt3A_600 : i32 to vector<16xi32>
            %lt3A_602 = arith.cmpi slt, %select_n3A_19, %lt3A_601 : vector<16xi32>
            %add3A_603 = arith.constant 16 : i32
            %add3A_604 = vector.broadcast %add3A_603 : i32 to vector<16xi32>
            %add3A_605 = arith.addi %select_n3A_19, %add3A_604 : vector<16xi32>
            %select_n3A_606 = arith.select %lt3A_602, %add3A_605, %select_n3A_19 : vector<16xi1>, vector<16xi32>
            %broadcast_in_dim3A_607 = vector.shape_cast %select_n3A_606 : vector<16xi32> to vector<16x1xi32>
            %gather3A_608 = vector.shape_cast %broadcast_in_dim3A_607 : vector<16x1xi32> to vector<16xi32>
            %gather3A_609 = tpu.dynamic_gather %max3A_599[%gather3A_608] in [0] : vector<16xf32>, vector<16xi32> -> vector<16xf32>
            %max3A_610 = arith.maximumf %max3A_599, %gather3A_609 : vector<16xf32>
            %lt3A_611 = arith.constant 0 : i32
            %lt3A_612 = vector.broadcast %lt3A_611 : i32 to vector<16xi32>
            %lt3A_613 = arith.cmpi slt, %select_n3A_29, %lt3A_612 : vector<16xi32>
            %add3A_614 = arith.constant 16 : i32
            %add3A_615 = vector.broadcast %add3A_614 : i32 to vector<16xi32>
            %add3A_616 = arith.addi %select_n3A_29, %add3A_615 : vector<16xi32>
            %select_n3A_617 = arith.select %lt3A_613, %add3A_616, %select_n3A_29 : vector<16xi1>, vector<16xi32>
            %broadcast_in_dim3A_618 = vector.shape_cast %select_n3A_617 : vector<16xi32> to vector<16x1xi32>
            %gather3A_619 = vector.shape_cast %broadcast_in_dim3A_618 : vector<16x1xi32> to vector<16xi32>
            %gather3A_620 = tpu.dynamic_gather %max3A_610[%gather3A_619] in [0] : vector<16xf32>, vector<16xi32> -> vector<16xf32>
            %max3A_621 = arith.maximumf %max3A_610, %gather3A_620 : vector<16xf32>
            %lt3A_622 = arith.constant 0 : i32
            %lt3A_623 = vector.broadcast %lt3A_622 : i32 to vector<16xi32>
            %lt3A_624 = arith.cmpi slt, %select_n3A_39, %lt3A_623 : vector<16xi32>
            %add3A_625 = arith.constant 16 : i32
            %add3A_626 = vector.broadcast %add3A_625 : i32 to vector<16xi32>
            %add3A_627 = arith.addi %select_n3A_39, %add3A_626 : vector<16xi32>
            %select_n3A_628 = arith.select %lt3A_624, %add3A_627, %select_n3A_39 : vector<16xi1>, vector<16xi32>
            %broadcast_in_dim3A_629 = vector.shape_cast %select_n3A_628 : vector<16xi32> to vector<16x1xi32>
            %gather3A_630 = vector.shape_cast %broadcast_in_dim3A_629 : vector<16x1xi32> to vector<16xi32>
            %gather3A_631 = tpu.dynamic_gather %max3A_621[%gather3A_630] in [0] : vector<16xf32>, vector<16xi32> -> vector<16xf32>
            %max3A_632 = arith.maximumf %max3A_621, %gather3A_631 : vector<16xf32>
            %min3A_633 = arith.minimumf %min3A_576, %max3A_632 : vector<16xf32>
            %swap3A_634 = arith.constant 0 : index
            %swap3A_635 = tpu.vector_load %arg8[%swap3A_634] {strides = array<i32>} : memref<16xf32, #tpu.memory_space<vmem>>, vector<16xf32>,
            %swap3A_636 = vector.shape_cast %swap3A_635 : vector<16xf32> to vector<16xf32>
            %swap3A_637 = vector.shape_cast %min3A_633 : vector<16xf32> to vector<16xf32>
            tpu.vector_store %arg8[%swap3A_634], %swap3A_637 {strides = array<i32>} : memref<16xf32, #tpu.memory_space<vmem>>, vector<16xf32>,
          } else {
          }
        }
        %scan3A_129 = arith.constant 8 : i32
      } else {
      }
    }
    %scan3A_102 = arith.constant 16 : i32
    %mul3A_103 = arith.constant 8 : i32
    %mul3A_104 = arith.muli %arg1, %mul3A_103 : i32
    %mul3A_105 = arith.constant 16 : i32
    %mul3A_106 = arith.muli %mul3A_104, %mul3A_105 : i32
    "tpu.region"() ({
      %run_scoped3A = tpu.sem_alloc : memref<!tpu.dma_semaphore, #tpu.memory_space<semaphore_mem>>
      %dma_start3A = tpu.memref_slice %arg11[%mul3A_106] : memref<2048xf32, #tpu.memory_space<vmem_shared>> -> memref<128xf32, #tpu.memory_space<vmem_shared>>
      %dma_start3A_110 = tpu.memref_slice %arg11[%mul3A_106] : memref<2048xf32, #tpu.memory_space<vmem_shared>> -> memref<128xf32, #tpu.memory_space<vmem_shared>>
      tpu.enqueue_dma source(%arg7 : memref<128xf32, #tpu.memory_space<vmem>>) target(%dma_start3A_110 : memref<128xf32, #tpu.memory_space<vmem_shared>>) target_semaphore(%run_scoped3A : memref<!tpu.dma_semaphore, #tpu.memory_space<semaphore_mem>>)
      %dma_wait3A = tpu.memref_slice %arg11[%mul3A_106] : memref<2048xf32, #tpu.memory_space<vmem_shared>> -> memref<128xf32, #tpu.memory_space<vmem_shared>>
      %dma_wait3A_111 = tpu.memref_slice %arg11[%mul3A_106] : memref<2048xf32, #tpu.memory_space<vmem_shared>> -> memref<128xf32, #tpu.memory_space<vmem_shared>>
      tpu.wait_dma2 semaphore(%run_scoped3A : memref<!tpu.dma_semaphore, #tpu.memory_space<semaphore_mem>>) src(%arg7 : memref<128xf32, #tpu.memory_space<vmem>>) dst(%dma_wait3A_111 : memref<128xf32, #tpu.memory_space<vmem_shared>>)
      tpu.yield
    }) : () -> ()
    %barrier3A = arith.constant 0 : index
    tpu.barrier barrier_id(%barrier3A)
    %eq3A_107 = arith.constant 0 : i32
    %eq3A_108 = arith.cmpi eq, %arg1, %eq3A_107 : i32
    %convert_element_type3A = arith.extui %eq3A_108 : i1 to i32
    %cond3A = arith.constant 0 : i32
    %cond3A_109 = arith.cmpi ne, %convert_element_type3A, %cond3A : i32
    scf.if %cond3A_109 {
      "tpu.region"() ({
        %run_scoped3A = tpu.sem_alloc : memref<!tpu.dma_semaphore, #tpu.memory_space<semaphore_mem>>
        tpu.enqueue_dma source(%arg11 : memref<2048xf32, #tpu.memory_space<vmem_shared>>) target(%arg9 : memref<2048xf32, #tpu.memory_space<vmem>>) target_semaphore(%run_scoped3A : memref<!tpu.dma_semaphore, #tpu.memory_space<semaphore_mem>>)
        tpu.wait_dma2 semaphore(%run_scoped3A : memref<!tpu.dma_semaphore, #tpu.memory_space<semaphore_mem>>) src(%arg11 : memref<2048xf32, #tpu.memory_space<vmem_shared>>) dst(%arg9 : memref<2048xf32, #tpu.memory_space<vmem>>)
        tpu.yield
      }) : () -> ()
      %get3A_110 = arith.constant 0 : index
      %get3A_111 = tpu.vector_load %arg9[%get3A_110] {strides = array<i32>} : memref<2048xf32, #tpu.memory_space<vmem>>, vector<16xf32>,
      %get3A_112 = vector.shape_cast %get3A_111 : vector<16xf32> to vector<16xf32>
      %max3A = arith.maximumf %broadcast_in_dim3A_0, %get3A_112 : vector<16xf32>
      %get3A_113 = arith.constant 16 : index
      %get3A_114 = tpu.vector_load %arg9[%get3A_113] {strides = array<i32>} : memref<2048xf32, #tpu.memory_space<vmem>>, vector<16xf32>,
      %get3A_115 = vector.shape_cast %get3A_114 : vector<16xf32> to vector<16xf32>
      %max3A_116 = arith.maximumf %broadcast_in_dim3A_0, %get3A_115 : vector<16xf32>
      %get3A_117 = arith.constant 32 : index
      %get3A_118 = tpu.vector_load %arg9[%get3A_117] {strides = array<i32>} : memref<2048xf32, #tpu.memory_space<vmem>>, vector<16xf32>,
      %get3A_119 = vector.shape_cast %get3A_118 : vector<16xf32> to vector<16xf32>
      %max3A_120 = arith.maximumf %broadcast_in_dim3A_0, %get3A_119 : vector<16xf32>
      %get3A_121 = arith.constant 48 : index
      %get3A_122 = tpu.vector_load %arg9[%get3A_121] {strides = array<i32>} : memref<2048xf32, #tpu.memory_space<vmem>>, vector<16xf32>,
      %get3A_123 = vector.shape_cast %get3A_122 : vector<16xf32> to vector<16xf32>
      %max3A_124 = arith.maximumf %broadcast_in_dim3A_0, %get3A_123 : vector<16xf32>
      %get3A_125 = arith.constant 64 : index
      %get3A_126 = tpu.vector_load %arg9[%get3A_125] {strides = array<i32>} : memref<2048xf32, #tpu.memory_space<vmem>>, vector<16xf32>,
      %get3A_127 = vector.shape_cast %get3A_126 : vector<16xf32> to vector<16xf32>
      %max3A_128 = arith.maximumf %broadcast_in_dim3A_0, %get3A_127 : vector<16xf32>
      %get3A_129 = arith.constant 80 : index
      %get3A_130 = tpu.vector_load %arg9[%get3A_129] {strides = array<i32>} : memref<2048xf32, #tpu.memory_space<vmem>>, vector<16xf32>,
      %get3A_131 = vector.shape_cast %get3A_130 : vector<16xf32> to vector<16xf32>
      %max3A_132 = arith.maximumf %broadcast_in_dim3A_0, %get3A_131 : vector<16xf32>
      %get3A_133 = arith.constant 96 : index
      %get3A_134 = tpu.vector_load %arg9[%get3A_133] {strides = array<i32>} : memref<2048xf32, #tpu.memory_space<vmem>>, vector<16xf32>,
      %get3A_135 = vector.shape_cast %get3A_134 : vector<16xf32> to vector<16xf32>
      %max3A_136 = arith.maximumf %broadcast_in_dim3A_0, %get3A_135 : vector<16xf32>
      %get3A_137 = arith.constant 112 : index
      %get3A_138 = tpu.vector_load %arg9[%get3A_137] {strides = array<i32>} : memref<2048xf32, #tpu.memory_space<vmem>>, vector<16xf32>,
      %get3A_139 = vector.shape_cast %get3A_138 : vector<16xf32> to vector<16xf32>
      %max3A_140 = arith.maximumf %broadcast_in_dim3A_0, %get3A_139 : vector<16xf32>
      %get3A_141 = arith.constant 128 : index
      %get3A_142 = tpu.vector_load %arg9[%get3A_141] {strides = array<i32>} : memref<2048xf32, #tpu.memory_space<vmem>>, vector<16xf32>,
      %get3A_143 = vector.shape_cast %get3A_142 : vector<16xf32> to vector<16xf32>
      %max3A_144 = arith.maximumf %max3A, %get3A_143 : vector<16xf32>
      %get3A_145 = arith.constant 144 : index
      %get3A_146 = tpu.vector_load %arg9[%get3A_145] {strides = array<i32>} : memref<2048xf32, #tpu.memory_space<vmem>>, vector<16xf32>,
      %get3A_147 = vector.shape_cast %get3A_146 : vector<16xf32> to vector<16xf32>
      %max3A_148 = arith.maximumf %max3A_116, %get3A_147 : vector<16xf32>
      %get3A_149 = arith.constant 160 : index
      %get3A_150 = tpu.vector_load %arg9[%get3A_149] {strides = array<i32>} : memref<2048xf32, #tpu.memory_space<vmem>>, vector<16xf32>,
      %get3A_151 = vector.shape_cast %get3A_150 : vector<16xf32> to vector<16xf32>
      %max3A_152 = arith.maximumf %max3A_120, %get3A_151 : vector<16xf32>
      %get3A_153 = arith.constant 176 : index
      %get3A_154 = tpu.vector_load %arg9[%get3A_153] {strides = array<i32>} : memref<2048xf32, #tpu.memory_space<vmem>>, vector<16xf32>,
      %get3A_155 = vector.shape_cast %get3A_154 : vector<16xf32> to vector<16xf32>
      %max3A_156 = arith.maximumf %max3A_124, %get3A_155 : vector<16xf32>
      %get3A_157 = arith.constant 192 : index
      %get3A_158 = tpu.vector_load %arg9[%get3A_157] {strides = array<i32>} : memref<2048xf32, #tpu.memory_space<vmem>>, vector<16xf32>,
      %get3A_159 = vector.shape_cast %get3A_158 : vector<16xf32> to vector<16xf32>
      %max3A_160 = arith.maximumf %max3A_128, %get3A_159 : vector<16xf32>
      %get3A_161 = arith.constant 208 : index
      %get3A_162 = tpu.vector_load %arg9[%get3A_161] {strides = array<i32>} : memref<2048xf32, #tpu.memory_space<vmem>>, vector<16xf32>,
      %get3A_163 = vector.shape_cast %get3A_162 : vector<16xf32> to vector<16xf32>
      %max3A_164 = arith.maximumf %max3A_132, %get3A_163 : vector<16xf32>
      %get3A_165 = arith.constant 224 : index
      %get3A_166 = tpu.vector_load %arg9[%get3A_165] {strides = array<i32>} : memref<2048xf32, #tpu.memory_space<vmem>>, vector<16xf32>,
      %get3A_167 = vector.shape_cast %get3A_166 : vector<16xf32> to vector<16xf32>
      %max3A_168 = arith.maximumf %max3A_136, %get3A_167 : vector<16xf32>
      %get3A_169 = arith.constant 240 : index
      %get3A_170 = tpu.vector_load %arg9[%get3A_169] {strides = array<i32>} : memref<2048xf32, #tpu.memory_space<vmem>>, vector<16xf32>,
      %get3A_171 = vector.shape_cast %get3A_170 : vector<16xf32> to vector<16xf32>
      %max3A_172 = arith.maximumf %max3A_140, %get3A_171 : vector<16xf32>
      %get3A_173 = arith.constant 256 : index
      %get3A_174 = tpu.vector_load %arg9[%get3A_173] {strides = array<i32>} : memref<2048xf32, #tpu.memory_space<vmem>>, vector<16xf32>,
      %get3A_175 = vector.shape_cast %get3A_174 : vector<16xf32> to vector<16xf32>
      %max3A_176 = arith.maximumf %max3A_144, %get3A_175 : vector<16xf32>
      %get3A_177 = arith.constant 272 : index
      %get3A_178 = tpu.vector_load %arg9[%get3A_177] {strides = array<i32>} : memref<2048xf32, #tpu.memory_space<vmem>>, vector<16xf32>,
      %get3A_179 = vector.shape_cast %get3A_178 : vector<16xf32> to vector<16xf32>
      %max3A_180 = arith.maximumf %max3A_148, %get3A_179 : vector<16xf32>
      %get3A_181 = arith.constant 288 : index
      %get3A_182 = tpu.vector_load %arg9[%get3A_181] {strides = array<i32>} : memref<2048xf32, #tpu.memory_space<vmem>>, vector<16xf32>,
      %get3A_183 = vector.shape_cast %get3A_182 : vector<16xf32> to vector<16xf32>
      %max3A_184 = arith.maximumf %max3A_152, %get3A_183 : vector<16xf32>
      %get3A_185 = arith.constant 304 : index
      %get3A_186 = tpu.vector_load %arg9[%get3A_185] {strides = array<i32>} : memref<2048xf32, #tpu.memory_space<vmem>>, vector<16xf32>,
      %get3A_187 = vector.shape_cast %get3A_186 : vector<16xf32> to vector<16xf32>
      %max3A_188 = arith.maximumf %max3A_156, %get3A_187 : vector<16xf32>
      %get3A_189 = arith.constant 320 : index
      %get3A_190 = tpu.vector_load %arg9[%get3A_189] {strides = array<i32>} : memref<2048xf32, #tpu.memory_space<vmem>>, vector<16xf32>,
      %get3A_191 = vector.shape_cast %get3A_190 : vector<16xf32> to vector<16xf32>
      %max3A_192 = arith.maximumf %max3A_160, %get3A_191 : vector<16xf32>
      %get3A_193 = arith.constant 336 : index
      %get3A_194 = tpu.vector_load %arg9[%get3A_193] {strides = array<i32>} : memref<2048xf32, #tpu.memory_space<vmem>>, vector<16xf32>,
      %get3A_195 = vector.shape_cast %get3A_194 : vector<16xf32> to vector<16xf32>
      %max3A_196 = arith.maximumf %max3A_164, %get3A_195 : vector<16xf32>
      %get3A_197 = arith.constant 352 : index
      %get3A_198 = tpu.vector_load %arg9[%get3A_197] {strides = array<i32>} : memref<2048xf32, #tpu.memory_space<vmem>>, vector<16xf32>,
      %get3A_199 = vector.shape_cast %get3A_198 : vector<16xf32> to vector<16xf32>
      %max3A_200 = arith.maximumf %max3A_168, %get3A_199 : vector<16xf32>
      %get3A_201 = arith.constant 368 : index
      %get3A_202 = tpu.vector_load %arg9[%get3A_201] {strides = array<i32>} : memref<2048xf32, #tpu.memory_space<vmem>>, vector<16xf32>,
      %get3A_203 = vector.shape_cast %get3A_202 : vector<16xf32> to vector<16xf32>
      %max3A_204 = arith.maximumf %max3A_172, %get3A_203 : vector<16xf32>
      %get3A_205 = arith.constant 384 : index
      %get3A_206 = tpu.vector_load %arg9[%get3A_205] {strides = array<i32>} : memref<2048xf32, #tpu.memory_space<vmem>>, vector<16xf32>,
      %get3A_207 = vector.shape_cast %get3A_206 : vector<16xf32> to vector<16xf32>
      %max3A_208 = arith.maximumf %max3A_176, %get3A_207 : vector<16xf32>
      %get3A_209 = arith.constant 400 : index
      %get3A_210 = tpu.vector_load %arg9[%get3A_209] {strides = array<i32>} : memref<2048xf32, #tpu.memory_space<vmem>>, vector<16xf32>,
      %get3A_211 = vector.shape_cast %get3A_210 : vector<16xf32> to vector<16xf32>
      %max3A_212 = arith.maximumf %max3A_180, %get3A_211 : vector<16xf32>
      %get3A_213 = arith.constant 416 : index
      %get3A_214 = tpu.vector_load %arg9[%get3A_213] {strides = array<i32>} : memref<2048xf32, #tpu.memory_space<vmem>>, vector<16xf32>,
      %get3A_215 = vector.shape_cast %get3A_214 : vector<16xf32> to vector<16xf32>
      %max3A_216 = arith.maximumf %max3A_184, %get3A_215 : vector<16xf32>
      %get3A_217 = arith.constant 432 : index
      %get3A_218 = tpu.vector_load %arg9[%get3A_217] {strides = array<i32>} : memref<2048xf32, #tpu.memory_space<vmem>>, vector<16xf32>,
      %get3A_219 = vector.shape_cast %get3A_218 : vector<16xf32> to vector<16xf32>
      %max3A_220 = arith.maximumf %max3A_188, %get3A_219 : vector<16xf32>
      %get3A_221 = arith.constant 448 : index
      %get3A_222 = tpu.vector_load %arg9[%get3A_221] {strides = array<i32>} : memref<2048xf32, #tpu.memory_space<vmem>>, vector<16xf32>,
      %get3A_223 = vector.shape_cast %get3A_222 : vector<16xf32> to vector<16xf32>
      %max3A_224 = arith.maximumf %max3A_192, %get3A_223 : vector<16xf32>
      %get3A_225 = arith.constant 464 : index
      %get3A_226 = tpu.vector_load %arg9[%get3A_225] {strides = array<i32>} : memref<2048xf32, #tpu.memory_space<vmem>>, vector<16xf32>,
      %get3A_227 = vector.shape_cast %get3A_226 : vector<16xf32> to vector<16xf32>
      %max3A_228 = arith.maximumf %max3A_196, %get3A_227 : vector<16xf32>
      %get3A_229 = arith.constant 480 : index
      %get3A_230 = tpu.vector_load %arg9[%get3A_229] {strides = array<i32>} : memref<2048xf32, #tpu.memory_space<vmem>>, vector<16xf32>,
      %get3A_231 = vector.shape_cast %get3A_230 : vector<16xf32> to vector<16xf32>
      %max3A_232 = arith.maximumf %max3A_200, %get3A_231 : vector<16xf32>
      %get3A_233 = arith.constant 496 : index
      %get3A_234 = tpu.vector_load %arg9[%get3A_233] {strides = array<i32>} : memref<2048xf32, #tpu.memory_space<vmem>>, vector<16xf32>,
      %get3A_235 = vector.shape_cast %get3A_234 : vector<16xf32> to vector<16xf32>
      %max3A_236 = arith.maximumf %max3A_204, %get3A_235 : vector<16xf32>
      %get3A_237 = arith.constant 512 : index
      %get3A_238 = tpu.vector_load %arg9[%get3A_237] {strides = array<i32>} : memref<2048xf32, #tpu.memory_space<vmem>>, vector<16xf32>,
      %get3A_239 = vector.shape_cast %get3A_238 : vector<16xf32> to vector<16xf32>
      %max3A_240 = arith.maximumf %max3A_208, %get3A_239 : vector<16xf32>
      %get3A_241 = arith.constant 528 : index
      %get3A_242 = tpu.vector_load %arg9[%get3A_241] {strides = array<i32>} : memref<2048xf32, #tpu.memory_space<vmem>>, vector<16xf32>,
      %get3A_243 = vector.shape_cast %get3A_242 : vector<16xf32> to vector<16xf32>
      %max3A_244 = arith.maximumf %max3A_212, %get3A_243 : vector<16xf32>
      %get3A_245 = arith.constant 544 : index
      %get3A_246 = tpu.vector_load %arg9[%get3A_245] {strides = array<i32>} : memref<2048xf32, #tpu.memory_space<vmem>>, vector<16xf32>,
      %get3A_247 = vector.shape_cast %get3A_246 : vector<16xf32> to vector<16xf32>
      %max3A_248 = arith.maximumf %max3A_216, %get3A_247 : vector<16xf32>
      %get3A_249 = arith.constant 560 : index
      %get3A_250 = tpu.vector_load %arg9[%get3A_249] {strides = array<i32>} : memref<2048xf32, #tpu.memory_space<vmem>>, vector<16xf32>,
      %get3A_251 = vector.shape_cast %get3A_250 : vector<16xf32> to vector<16xf32>
      %max3A_252 = arith.maximumf %max3A_220, %get3A_251 : vector<16xf32>
      %get3A_253 = arith.constant 576 : index
      %get3A_254 = tpu.vector_load %arg9[%get3A_253] {strides = array<i32>} : memref<2048xf32, #tpu.memory_space<vmem>>, vector<16xf32>,
      %get3A_255 = vector.shape_cast %get3A_254 : vector<16xf32> to vector<16xf32>
      %max3A_256 = arith.maximumf %max3A_224, %get3A_255 : vector<16xf32>
      %get3A_257 = arith.constant 592 : index
      %get3A_258 = tpu.vector_load %arg9[%get3A_257] {strides = array<i32>} : memref<2048xf32, #tpu.memory_space<vmem>>, vector<16xf32>,
      %get3A_259 = vector.shape_cast %get3A_258 : vector<16xf32> to vector<16xf32>
      %max3A_260 = arith.maximumf %max3A_228, %get3A_259 : vector<16xf32>
      %get3A_261 = arith.constant 608 : index
      %get3A_262 = tpu.vector_load %arg9[%get3A_261] {strides = array<i32>} : memref<2048xf32, #tpu.memory_space<vmem>>, vector<16xf32>,
      %get3A_263 = vector.shape_cast %get3A_262 : vector<16xf32> to vector<16xf32>
      %max3A_264 = arith.maximumf %max3A_232, %get3A_263 : vector<16xf32>
      %get3A_265 = arith.constant 624 : index
      %get3A_266 = tpu.vector_load %arg9[%get3A_265] {strides = array<i32>} : memref<2048xf32, #tpu.memory_space<vmem>>, vector<16xf32>,
      %get3A_267 = vector.shape_cast %get3A_266 : vector<16xf32> to vector<16xf32>
      %max3A_268 = arith.maximumf %max3A_236, %get3A_267 : vector<16xf32>
      %get3A_269 = arith.constant 640 : index
      %get3A_270 = tpu.vector_load %arg9[%get3A_269] {strides = array<i32>} : memref<2048xf32, #tpu.memory_space<vmem>>, vector<16xf32>,
      %get3A_271 = vector.shape_cast %get3A_270 : vector<16xf32> to vector<16xf32>
      %max3A_272 = arith.maximumf %max3A_240, %get3A_271 : vector<16xf32>
      %get3A_273 = arith.constant 656 : index
      %get3A_274 = tpu.vector_load %arg9[%get3A_273] {strides = array<i32>} : memref<2048xf32, #tpu.memory_space<vmem>>, vector<16xf32>,
      %get3A_275 = vector.shape_cast %get3A_274 : vector<16xf32> to vector<16xf32>
      %max3A_276 = arith.maximumf %max3A_244, %get3A_275 : vector<16xf32>
      %get3A_277 = arith.constant 672 : index
      %get3A_278 = tpu.vector_load %arg9[%get3A_277] {strides = array<i32>} : memref<2048xf32, #tpu.memory_space<vmem>>, vector<16xf32>,
      %get3A_279 = vector.shape_cast %get3A_278 : vector<16xf32> to vector<16xf32>
      %max3A_280 = arith.maximumf %max3A_248, %get3A_279 : vector<16xf32>
      %get3A_281 = arith.constant 688 : index
      %get3A_282 = tpu.vector_load %arg9[%get3A_281] {strides = array<i32>} : memref<2048xf32, #tpu.memory_space<vmem>>, vector<16xf32>,
      %get3A_283 = vector.shape_cast %get3A_282 : vector<16xf32> to vector<16xf32>
      %max3A_284 = arith.maximumf %max3A_252, %get3A_283 : vector<16xf32>
      %get3A_285 = arith.constant 704 : index
      %get3A_286 = tpu.vector_load %arg9[%get3A_285] {strides = array<i32>} : memref<2048xf32, #tpu.memory_space<vmem>>, vector<16xf32>,
      %get3A_287 = vector.shape_cast %get3A_286 : vector<16xf32> to vector<16xf32>
      %max3A_288 = arith.maximumf %max3A_256, %get3A_287 : vector<16xf32>
      %get3A_289 = arith.constant 720 : index
      %get3A_290 = tpu.vector_load %arg9[%get3A_289] {strides = array<i32>} : memref<2048xf32, #tpu.memory_space<vmem>>, vector<16xf32>,
      %get3A_291 = vector.shape_cast %get3A_290 : vector<16xf32> to vector<16xf32>
      %max3A_292 = arith.maximumf %max3A_260, %get3A_291 : vector<16xf32>
      %get3A_293 = arith.constant 736 : index
      %get3A_294 = tpu.vector_load %arg9[%get3A_293] {strides = array<i32>} : memref<2048xf32, #tpu.memory_space<vmem>>, vector<16xf32>,
      %get3A_295 = vector.shape_cast %get3A_294 : vector<16xf32> to vector<16xf32>
      %max3A_296 = arith.maximumf %max3A_264, %get3A_295 : vector<16xf32>
      %get3A_297 = arith.constant 752 : index
      %get3A_298 = tpu.vector_load %arg9[%get3A_297] {strides = array<i32>} : memref<2048xf32, #tpu.memory_space<vmem>>, vector<16xf32>,
      %get3A_299 = vector.shape_cast %get3A_298 : vector<16xf32> to vector<16xf32>
      %max3A_300 = arith.maximumf %max3A_268, %get3A_299 : vector<16xf32>
      %get3A_301 = arith.constant 768 : index
      %get3A_302 = tpu.vector_load %arg9[%get3A_301] {strides = array<i32>} : memref<2048xf32, #tpu.memory_space<vmem>>, vector<16xf32>,
      %get3A_303 = vector.shape_cast %get3A_302 : vector<16xf32> to vector<16xf32>
      %max3A_304 = arith.maximumf %max3A_272, %get3A_303 : vector<16xf32>
      %get3A_305 = arith.constant 784 : index
      %get3A_306 = tpu.vector_load %arg9[%get3A_305] {strides = array<i32>} : memref<2048xf32, #tpu.memory_space<vmem>>, vector<16xf32>,
      %get3A_307 = vector.shape_cast %get3A_306 : vector<16xf32> to vector<16xf32>
      %max3A_308 = arith.maximumf %max3A_276, %get3A_307 : vector<16xf32>
      %get3A_309 = arith.constant 800 : index
      %get3A_310 = tpu.vector_load %arg9[%get3A_309] {strides = array<i32>} : memref<2048xf32, #tpu.memory_space<vmem>>, vector<16xf32>,
      %get3A_311 = vector.shape_cast %get3A_310 : vector<16xf32> to vector<16xf32>
      %max3A_312 = arith.maximumf %max3A_280, %get3A_311 : vector<16xf32>
      %get3A_313 = arith.constant 816 : index
      %get3A_314 = tpu.vector_load %arg9[%get3A_313] {strides = array<i32>} : memref<2048xf32, #tpu.memory_space<vmem>>, vector<16xf32>,
      %get3A_315 = vector.shape_cast %get3A_314 : vector<16xf32> to vector<16xf32>
      %max3A_316 = arith.maximumf %max3A_284, %get3A_315 : vector<16xf32>
      %get3A_317 = arith.constant 832 : index
      %get3A_318 = tpu.vector_load %arg9[%get3A_317] {strides = array<i32>} : memref<2048xf32, #tpu.memory_space<vmem>>, vector<16xf32>,
      %get3A_319 = vector.shape_cast %get3A_318 : vector<16xf32> to vector<16xf32>
      %max3A_320 = arith.maximumf %max3A_288, %get3A_319 : vector<16xf32>
      %get3A_321 = arith.constant 848 : index
      %get3A_322 = tpu.vector_load %arg9[%get3A_321] {strides = array<i32>} : memref<2048xf32, #tpu.memory_space<vmem>>, vector<16xf32>,
      %get3A_323 = vector.shape_cast %get3A_322 : vector<16xf32> to vector<16xf32>
      %max3A_324 = arith.maximumf %max3A_292, %get3A_323 : vector<16xf32>
      %get3A_325 = arith.constant 864 : index
      %get3A_326 = tpu.vector_load %arg9[%get3A_325] {strides = array<i32>} : memref<2048xf32, #tpu.memory_space<vmem>>, vector<16xf32>,
      %get3A_327 = vector.shape_cast %get3A_326 : vector<16xf32> to vector<16xf32>
      %max3A_328 = arith.maximumf %max3A_296, %get3A_327 : vector<16xf32>
      %get3A_329 = arith.constant 880 : index
      %get3A_330 = tpu.vector_load %arg9[%get3A_329] {strides = array<i32>} : memref<2048xf32, #tpu.memory_space<vmem>>, vector<16xf32>,
      %get3A_331 = vector.shape_cast %get3A_330 : vector<16xf32> to vector<16xf32>
      %max3A_332 = arith.maximumf %max3A_300, %get3A_331 : vector<16xf32>
      %get3A_333 = arith.constant 896 : index
      %get3A_334 = tpu.vector_load %arg9[%get3A_333] {strides = array<i32>} : memref<2048xf32, #tpu.memory_space<vmem>>, vector<16xf32>,
      %get3A_335 = vector.shape_cast %get3A_334 : vector<16xf32> to vector<16xf32>
      %max3A_336 = arith.maximumf %max3A_304, %get3A_335 : vector<16xf32>
      %get3A_337 = arith.constant 912 : index
      %get3A_338 = tpu.vector_load %arg9[%get3A_337] {strides = array<i32>} : memref<2048xf32, #tpu.memory_space<vmem>>, vector<16xf32>,
      %get3A_339 = vector.shape_cast %get3A_338 : vector<16xf32> to vector<16xf32>
      %max3A_340 = arith.maximumf %max3A_308, %get3A_339 : vector<16xf32>
      %get3A_341 = arith.constant 928 : index
      %get3A_342 = tpu.vector_load %arg9[%get3A_341] {strides = array<i32>} : memref<2048xf32, #tpu.memory_space<vmem>>, vector<16xf32>,
      %get3A_343 = vector.shape_cast %get3A_342 : vector<16xf32> to vector<16xf32>
      %max3A_344 = arith.maximumf %max3A_312, %get3A_343 : vector<16xf32>
      %get3A_345 = arith.constant 944 : index
      %get3A_346 = tpu.vector_load %arg9[%get3A_345] {strides = array<i32>} : memref<2048xf32, #tpu.memory_space<vmem>>, vector<16xf32>,
      %get3A_347 = vector.shape_cast %get3A_346 : vector<16xf32> to vector<16xf32>
      %max3A_348 = arith.maximumf %max3A_316, %get3A_347 : vector<16xf32>
      %get3A_349 = arith.constant 960 : index
      %get3A_350 = tpu.vector_load %arg9[%get3A_349] {strides = array<i32>} : memref<2048xf32, #tpu.memory_space<vmem>>, vector<16xf32>,
      %get3A_351 = vector.shape_cast %get3A_350 : vector<16xf32> to vector<16xf32>
      %max3A_352 = arith.maximumf %max3A_320, %get3A_351 : vector<16xf32>
      %get3A_353 = arith.constant 976 : index
      %get3A_354 = tpu.vector_load %arg9[%get3A_353] {strides = array<i32>} : memref<2048xf32, #tpu.memory_space<vmem>>, vector<16xf32>,
      %get3A_355 = vector.shape_cast %get3A_354 : vector<16xf32> to vector<16xf32>
      %max3A_356 = arith.maximumf %max3A_324, %get3A_355 : vector<16xf32>
      %get3A_357 = arith.constant 992 : index
      %get3A_358 = tpu.vector_load %arg9[%get3A_357] {strides = array<i32>} : memref<2048xf32, #tpu.memory_space<vmem>>, vector<16xf32>,
      %get3A_359 = vector.shape_cast %get3A_358 : vector<16xf32> to vector<16xf32>
      %max3A_360 = arith.maximumf %max3A_328, %get3A_359 : vector<16xf32>
      %get3A_361 = arith.constant 1008 : index
      %get3A_362 = tpu.vector_load %arg9[%get3A_361] {strides = array<i32>} : memref<2048xf32, #tpu.memory_space<vmem>>, vector<16xf32>,
      %get3A_363 = vector.shape_cast %get3A_362 : vector<16xf32> to vector<16xf32>
      %max3A_364 = arith.maximumf %max3A_332, %get3A_363 : vector<16xf32>
      %get3A_365 = arith.constant 1024 : index
      %get3A_366 = tpu.vector_load %arg9[%get3A_365] {strides = array<i32>} : memref<2048xf32, #tpu.memory_space<vmem>>, vector<16xf32>,
      %get3A_367 = vector.shape_cast %get3A_366 : vector<16xf32> to vector<16xf32>
      %max3A_368 = arith.maximumf %max3A_336, %get3A_367 : vector<16xf32>
      %get3A_369 = arith.constant 1040 : index
      %get3A_370 = tpu.vector_load %arg9[%get3A_369] {strides = array<i32>} : memref<2048xf32, #tpu.memory_space<vmem>>, vector<16xf32>,
      %get3A_371 = vector.shape_cast %get3A_370 : vector<16xf32> to vector<16xf32>
      %max3A_372 = arith.maximumf %max3A_340, %get3A_371 : vector<16xf32>
      %get3A_373 = arith.constant 1056 : index
      %get3A_374 = tpu.vector_load %arg9[%get3A_373] {strides = array<i32>} : memref<2048xf32, #tpu.memory_space<vmem>>, vector<16xf32>,
      %get3A_375 = vector.shape_cast %get3A_374 : vector<16xf32> to vector<16xf32>
      %max3A_376 = arith.maximumf %max3A_344, %get3A_375 : vector<16xf32>
      %get3A_377 = arith.constant 1072 : index
      %get3A_378 = tpu.vector_load %arg9[%get3A_377] {strides = array<i32>} : memref<2048xf32, #tpu.memory_space<vmem>>, vector<16xf32>,
      %get3A_379 = vector.shape_cast %get3A_378 : vector<16xf32> to vector<16xf32>
      %max3A_380 = arith.maximumf %max3A_348, %get3A_379 : vector<16xf32>
      %get3A_381 = arith.constant 1088 : index
      %get3A_382 = tpu.vector_load %arg9[%get3A_381] {strides = array<i32>} : memref<2048xf32, #tpu.memory_space<vmem>>, vector<16xf32>,
      %get3A_383 = vector.shape_cast %get3A_382 : vector<16xf32> to vector<16xf32>
      %max3A_384 = arith.maximumf %max3A_352, %get3A_383 : vector<16xf32>
      %get3A_385 = arith.constant 1104 : index
      %get3A_386 = tpu.vector_load %arg9[%get3A_385] {strides = array<i32>} : memref<2048xf32, #tpu.memory_space<vmem>>, vector<16xf32>,
      %get3A_387 = vector.shape_cast %get3A_386 : vector<16xf32> to vector<16xf32>
      %max3A_388 = arith.maximumf %max3A_356, %get3A_387 : vector<16xf32>
      %get3A_389 = arith.constant 1120 : index
      %get3A_390 = tpu.vector_load %arg9[%get3A_389] {strides = array<i32>} : memref<2048xf32, #tpu.memory_space<vmem>>, vector<16xf32>,
      %get3A_391 = vector.shape_cast %get3A_390 : vector<16xf32> to vector<16xf32>
      %max3A_392 = arith.maximumf %max3A_360, %get3A_391 : vector<16xf32>
      %get3A_393 = arith.constant 1136 : index
      %get3A_394 = tpu.vector_load %arg9[%get3A_393] {strides = array<i32>} : memref<2048xf32, #tpu.memory_space<vmem>>, vector<16xf32>,
      %get3A_395 = vector.shape_cast %get3A_394 : vector<16xf32> to vector<16xf32>
      %max3A_396 = arith.maximumf %max3A_364, %get3A_395 : vector<16xf32>
      %get3A_397 = arith.constant 1152 : index
      %get3A_398 = tpu.vector_load %arg9[%get3A_397] {strides = array<i32>} : memref<2048xf32, #tpu.memory_space<vmem>>, vector<16xf32>,
      %get3A_399 = vector.shape_cast %get3A_398 : vector<16xf32> to vector<16xf32>
      %max3A_400 = arith.maximumf %max3A_368, %get3A_399 : vector<16xf32>
      %get3A_401 = arith.constant 1168 : index
      %get3A_402 = tpu.vector_load %arg9[%get3A_401] {strides = array<i32>} : memref<2048xf32, #tpu.memory_space<vmem>>, vector<16xf32>,
      %get3A_403 = vector.shape_cast %get3A_402 : vector<16xf32> to vector<16xf32>
      %max3A_404 = arith.maximumf %max3A_372, %get3A_403 : vector<16xf32>
      %get3A_405 = arith.constant 1184 : index
      %get3A_406 = tpu.vector_load %arg9[%get3A_405] {strides = array<i32>} : memref<2048xf32, #tpu.memory_space<vmem>>, vector<16xf32>,
      %get3A_407 = vector.shape_cast %get3A_406 : vector<16xf32> to vector<16xf32>
      %max3A_408 = arith.maximumf %max3A_376, %get3A_407 : vector<16xf32>
      %get3A_409 = arith.constant 1200 : index
      %get3A_410 = tpu.vector_load %arg9[%get3A_409] {strides = array<i32>} : memref<2048xf32, #tpu.memory_space<vmem>>, vector<16xf32>,
      %get3A_411 = vector.shape_cast %get3A_410 : vector<16xf32> to vector<16xf32>
      %max3A_412 = arith.maximumf %max3A_380, %get3A_411 : vector<16xf32>
      %get3A_413 = arith.constant 1216 : index
      %get3A_414 = tpu.vector_load %arg9[%get3A_413] {strides = array<i32>} : memref<2048xf32, #tpu.memory_space<vmem>>, vector<16xf32>,
      %get3A_415 = vector.shape_cast %get3A_414 : vector<16xf32> to vector<16xf32>
      %max3A_416 = arith.maximumf %max3A_384, %get3A_415 : vector<16xf32>
      %get3A_417 = arith.constant 1232 : index
      %get3A_418 = tpu.vector_load %arg9[%get3A_417] {strides = array<i32>} : memref<2048xf32, #tpu.memory_space<vmem>>, vector<16xf32>,
      %get3A_419 = vector.shape_cast %get3A_418 : vector<16xf32> to vector<16xf32>
      %max3A_420 = arith.maximumf %max3A_388, %get3A_419 : vector<16xf32>
      %get3A_421 = arith.constant 1248 : index
      %get3A_422 = tpu.vector_load %arg9[%get3A_421] {strides = array<i32>} : memref<2048xf32, #tpu.memory_space<vmem>>, vector<16xf32>,
      %get3A_423 = vector.shape_cast %get3A_422 : vector<16xf32> to vector<16xf32>
      %max3A_424 = arith.maximumf %max3A_392, %get3A_423 : vector<16xf32>
      %get3A_425 = arith.constant 1264 : index
      %get3A_426 = tpu.vector_load %arg9[%get3A_425] {strides = array<i32>} : memref<2048xf32, #tpu.memory_space<vmem>>, vector<16xf32>,
      %get3A_427 = vector.shape_cast %get3A_426 : vector<16xf32> to vector<16xf32>
      %max3A_428 = arith.maximumf %max3A_396, %get3A_427 : vector<16xf32>
      %get3A_429 = arith.constant 1280 : index
      %get3A_430 = tpu.vector_load %arg9[%get3A_429] {strides = array<i32>} : memref<2048xf32, #tpu.memory_space<vmem>>, vector<16xf32>,
      %get3A_431 = vector.shape_cast %get3A_430 : vector<16xf32> to vector<16xf32>
      %max3A_432 = arith.maximumf %max3A_400, %get3A_431 : vector<16xf32>
      %get3A_433 = arith.constant 1296 : index
      %get3A_434 = tpu.vector_load %arg9[%get3A_433] {strides = array<i32>} : memref<2048xf32, #tpu.memory_space<vmem>>, vector<16xf32>,
      %get3A_435 = vector.shape_cast %get3A_434 : vector<16xf32> to vector<16xf32>
      %max3A_436 = arith.maximumf %max3A_404, %get3A_435 : vector<16xf32>
      %get3A_437 = arith.constant 1312 : index
      %get3A_438 = tpu.vector_load %arg9[%get3A_437] {strides = array<i32>} : memref<2048xf32, #tpu.memory_space<vmem>>, vector<16xf32>,
      %get3A_439 = vector.shape_cast %get3A_438 : vector<16xf32> to vector<16xf32>
      %max3A_440 = arith.maximumf %max3A_408, %get3A_439 : vector<16xf32>
      %get3A_441 = arith.constant 1328 : index
      %get3A_442 = tpu.vector_load %arg9[%get3A_441] {strides = array<i32>} : memref<2048xf32, #tpu.memory_space<vmem>>, vector<16xf32>,
      %get3A_443 = vector.shape_cast %get3A_442 : vector<16xf32> to vector<16xf32>
      %max3A_444 = arith.maximumf %max3A_412, %get3A_443 : vector<16xf32>
      %get3A_445 = arith.constant 1344 : index
      %get3A_446 = tpu.vector_load %arg9[%get3A_445] {strides = array<i32>} : memref<2048xf32, #tpu.memory_space<vmem>>, vector<16xf32>,
      %get3A_447 = vector.shape_cast %get3A_446 : vector<16xf32> to vector<16xf32>
      %max3A_448 = arith.maximumf %max3A_416, %get3A_447 : vector<16xf32>
      %get3A_449 = arith.constant 1360 : index
      %get3A_450 = tpu.vector_load %arg9[%get3A_449] {strides = array<i32>} : memref<2048xf32, #tpu.memory_space<vmem>>, vector<16xf32>,
      %get3A_451 = vector.shape_cast %get3A_450 : vector<16xf32> to vector<16xf32>
      %max3A_452 = arith.maximumf %max3A_420, %get3A_451 : vector<16xf32>
      %get3A_453 = arith.constant 1376 : index
      %get3A_454 = tpu.vector_load %arg9[%get3A_453] {strides = array<i32>} : memref<2048xf32, #tpu.memory_space<vmem>>, vector<16xf32>,
      %get3A_455 = vector.shape_cast %get3A_454 : vector<16xf32> to vector<16xf32>
      %max3A_456 = arith.maximumf %max3A_424, %get3A_455 : vector<16xf32>
      %get3A_457 = arith.constant 1392 : index
      %get3A_458 = tpu.vector_load %arg9[%get3A_457] {strides = array<i32>} : memref<2048xf32, #tpu.memory_space<vmem>>, vector<16xf32>,
      %get3A_459 = vector.shape_cast %get3A_458 : vector<16xf32> to vector<16xf32>
      %max3A_460 = arith.maximumf %max3A_428, %get3A_459 : vector<16xf32>
      %get3A_461 = arith.constant 1408 : index
      %get3A_462 = tpu.vector_load %arg9[%get3A_461] {strides = array<i32>} : memref<2048xf32, #tpu.memory_space<vmem>>, vector<16xf32>,
      %get3A_463 = vector.shape_cast %get3A_462 : vector<16xf32> to vector<16xf32>
      %max3A_464 = arith.maximumf %max3A_432, %get3A_463 : vector<16xf32>
      %get3A_465 = arith.constant 1424 : index
      %get3A_466 = tpu.vector_load %arg9[%get3A_465] {strides = array<i32>} : memref<2048xf32, #tpu.memory_space<vmem>>, vector<16xf32>,
      %get3A_467 = vector.shape_cast %get3A_466 : vector<16xf32> to vector<16xf32>
      %max3A_468 = arith.maximumf %max3A_436, %get3A_467 : vector<16xf32>
      %get3A_469 = arith.constant 1440 : index
      %get3A_470 = tpu.vector_load %arg9[%get3A_469] {strides = array<i32>} : memref<2048xf32, #tpu.memory_space<vmem>>, vector<16xf32>,
      %get3A_471 = vector.shape_cast %get3A_470 : vector<16xf32> to vector<16xf32>
      %max3A_472 = arith.maximumf %max3A_440, %get3A_471 : vector<16xf32>
      %get3A_473 = arith.constant 1456 : index
      %get3A_474 = tpu.vector_load %arg9[%get3A_473] {strides = array<i32>} : memref<2048xf32, #tpu.memory_space<vmem>>, vector<16xf32>,
      %get3A_475 = vector.shape_cast %get3A_474 : vector<16xf32> to vector<16xf32>
      %max3A_476 = arith.maximumf %max3A_444, %get3A_475 : vector<16xf32>
      %get3A_477 = arith.constant 1472 : index
      %get3A_478 = tpu.vector_load %arg9[%get3A_477] {strides = array<i32>} : memref<2048xf32, #tpu.memory_space<vmem>>, vector<16xf32>,
      %get3A_479 = vector.shape_cast %get3A_478 : vector<16xf32> to vector<16xf32>
      %max3A_480 = arith.maximumf %max3A_448, %get3A_479 : vector<16xf32>
      %get3A_481 = arith.constant 1488 : index
      %get3A_482 = tpu.vector_load %arg9[%get3A_481] {strides = array<i32>} : memref<2048xf32, #tpu.memory_space<vmem>>, vector<16xf32>,
      %get3A_483 = vector.shape_cast %get3A_482 : vector<16xf32> to vector<16xf32>
      %max3A_484 = arith.maximumf %max3A_452, %get3A_483 : vector<16xf32>
      %get3A_485 = arith.constant 1504 : index
      %get3A_486 = tpu.vector_load %arg9[%get3A_485] {strides = array<i32>} : memref<2048xf32, #tpu.memory_space<vmem>>, vector<16xf32>,
      %get3A_487 = vector.shape_cast %get3A_486 : vector<16xf32> to vector<16xf32>
      %max3A_488 = arith.maximumf %max3A_456, %get3A_487 : vector<16xf32>
      %get3A_489 = arith.constant 1520 : index
      %get3A_490 = tpu.vector_load %arg9[%get3A_489] {strides = array<i32>} : memref<2048xf32, #tpu.memory_space<vmem>>, vector<16xf32>,
      %get3A_491 = vector.shape_cast %get3A_490 : vector<16xf32> to vector<16xf32>
      %max3A_492 = arith.maximumf %max3A_460, %get3A_491 : vector<16xf32>
      %get3A_493 = arith.constant 1536 : index
      %get3A_494 = tpu.vector_load %arg9[%get3A_493] {strides = array<i32>} : memref<2048xf32, #tpu.memory_space<vmem>>, vector<16xf32>,
      %get3A_495 = vector.shape_cast %get3A_494 : vector<16xf32> to vector<16xf32>
      %max3A_496 = arith.maximumf %max3A_464, %get3A_495 : vector<16xf32>
      %get3A_497 = arith.constant 1552 : index
      %get3A_498 = tpu.vector_load %arg9[%get3A_497] {strides = array<i32>} : memref<2048xf32, #tpu.memory_space<vmem>>, vector<16xf32>,
      %get3A_499 = vector.shape_cast %get3A_498 : vector<16xf32> to vector<16xf32>
      %max3A_500 = arith.maximumf %max3A_468, %get3A_499 : vector<16xf32>
      %get3A_501 = arith.constant 1568 : index
      %get3A_502 = tpu.vector_load %arg9[%get3A_501] {strides = array<i32>} : memref<2048xf32, #tpu.memory_space<vmem>>, vector<16xf32>,
      %get3A_503 = vector.shape_cast %get3A_502 : vector<16xf32> to vector<16xf32>
      %max3A_504 = arith.maximumf %max3A_472, %get3A_503 : vector<16xf32>
      %get3A_505 = arith.constant 1584 : index
      %get3A_506 = tpu.vector_load %arg9[%get3A_505] {strides = array<i32>} : memref<2048xf32, #tpu.memory_space<vmem>>, vector<16xf32>,
      %get3A_507 = vector.shape_cast %get3A_506 : vector<16xf32> to vector<16xf32>
      %max3A_508 = arith.maximumf %max3A_476, %get3A_507 : vector<16xf32>
      %get3A_509 = arith.constant 1600 : index
      %get3A_510 = tpu.vector_load %arg9[%get3A_509] {strides = array<i32>} : memref<2048xf32, #tpu.memory_space<vmem>>, vector<16xf32>,
      %get3A_511 = vector.shape_cast %get3A_510 : vector<16xf32> to vector<16xf32>
      %max3A_512 = arith.maximumf %max3A_480, %get3A_511 : vector<16xf32>
      %get3A_513 = arith.constant 1616 : index
      %get3A_514 = tpu.vector_load %arg9[%get3A_513] {strides = array<i32>} : memref<2048xf32, #tpu.memory_space<vmem>>, vector<16xf32>,
      %get3A_515 = vector.shape_cast %get3A_514 : vector<16xf32> to vector<16xf32>
      %max3A_516 = arith.maximumf %max3A_484, %get3A_515 : vector<16xf32>
      %get3A_517 = arith.constant 1632 : index
      %get3A_518 = tpu.vector_load %arg9[%get3A_517] {strides = array<i32>} : memref<2048xf32, #tpu.memory_space<vmem>>, vector<16xf32>,
      %get3A_519 = vector.shape_cast %get3A_518 : vector<16xf32> to vector<16xf32>
      %max3A_520 = arith.maximumf %max3A_488, %get3A_519 : vector<16xf32>
      %get3A_521 = arith.constant 1648 : index
      %get3A_522 = tpu.vector_load %arg9[%get3A_521] {strides = array<i32>} : memref<2048xf32, #tpu.memory_space<vmem>>, vector<16xf32>,
      %get3A_523 = vector.shape_cast %get3A_522 : vector<16xf32> to vector<16xf32>
      %max3A_524 = arith.maximumf %max3A_492, %get3A_523 : vector<16xf32>
      %get3A_525 = arith.constant 1664 : index
      %get3A_526 = tpu.vector_load %arg9[%get3A_525] {strides = array<i32>} : memref<2048xf32, #tpu.memory_space<vmem>>, vector<16xf32>,
      %get3A_527 = vector.shape_cast %get3A_526 : vector<16xf32> to vector<16xf32>
      %max3A_528 = arith.maximumf %max3A_496, %get3A_527 : vector<16xf32>
      %get3A_529 = arith.constant 1680 : index
      %get3A_530 = tpu.vector_load %arg9[%get3A_529] {strides = array<i32>} : memref<2048xf32, #tpu.memory_space<vmem>>, vector<16xf32>,
      %get3A_531 = vector.shape_cast %get3A_530 : vector<16xf32> to vector<16xf32>
      %max3A_532 = arith.maximumf %max3A_500, %get3A_531 : vector<16xf32>
      %get3A_533 = arith.constant 1696 : index
      %get3A_534 = tpu.vector_load %arg9[%get3A_533] {strides = array<i32>} : memref<2048xf32, #tpu.memory_space<vmem>>, vector<16xf32>,
      %get3A_535 = vector.shape_cast %get3A_534 : vector<16xf32> to vector<16xf32>
      %max3A_536 = arith.maximumf %max3A_504, %get3A_535 : vector<16xf32>
      %get3A_537 = arith.constant 1712 : index
      %get3A_538 = tpu.vector_load %arg9[%get3A_537] {strides = array<i32>} : memref<2048xf32, #tpu.memory_space<vmem>>, vector<16xf32>,
      %get3A_539 = vector.shape_cast %get3A_538 : vector<16xf32> to vector<16xf32>
      %max3A_540 = arith.maximumf %max3A_508, %get3A_539 : vector<16xf32>
      %get3A_541 = arith.constant 1728 : index
      %get3A_542 = tpu.vector_load %arg9[%get3A_541] {strides = array<i32>} : memref<2048xf32, #tpu.memory_space<vmem>>, vector<16xf32>,
      %get3A_543 = vector.shape_cast %get3A_542 : vector<16xf32> to vector<16xf32>
      %max3A_544 = arith.maximumf %max3A_512, %get3A_543 : vector<16xf32>
      %get3A_545 = arith.constant 1744 : index
      %get3A_546 = tpu.vector_load %arg9[%get3A_545] {strides = array<i32>} : memref<2048xf32, #tpu.memory_space<vmem>>, vector<16xf32>,
      %get3A_547 = vector.shape_cast %get3A_546 : vector<16xf32> to vector<16xf32>
      %max3A_548 = arith.maximumf %max3A_516, %get3A_547 : vector<16xf32>
      %get3A_549 = arith.constant 1760 : index
      %get3A_550 = tpu.vector_load %arg9[%get3A_549] {strides = array<i32>} : memref<2048xf32, #tpu.memory_space<vmem>>, vector<16xf32>,
      %get3A_551 = vector.shape_cast %get3A_550 : vector<16xf32> to vector<16xf32>
      %max3A_552 = arith.maximumf %max3A_520, %get3A_551 : vector<16xf32>
      %get3A_553 = arith.constant 1776 : index
      %get3A_554 = tpu.vector_load %arg9[%get3A_553] {strides = array<i32>} : memref<2048xf32, #tpu.memory_space<vmem>>, vector<16xf32>,
      %get3A_555 = vector.shape_cast %get3A_554 : vector<16xf32> to vector<16xf32>
      %max3A_556 = arith.maximumf %max3A_524, %get3A_555 : vector<16xf32>
      %get3A_557 = arith.constant 1792 : index
      %get3A_558 = tpu.vector_load %arg9[%get3A_557] {strides = array<i32>} : memref<2048xf32, #tpu.memory_space<vmem>>, vector<16xf32>,
      %get3A_559 = vector.shape_cast %get3A_558 : vector<16xf32> to vector<16xf32>
      %max3A_560 = arith.maximumf %max3A_528, %get3A_559 : vector<16xf32>
      %get3A_561 = arith.constant 1808 : index
      %get3A_562 = tpu.vector_load %arg9[%get3A_561] {strides = array<i32>} : memref<2048xf32, #tpu.memory_space<vmem>>, vector<16xf32>,
      %get3A_563 = vector.shape_cast %get3A_562 : vector<16xf32> to vector<16xf32>
      %max3A_564 = arith.maximumf %max3A_532, %get3A_563 : vector<16xf32>
      %get3A_565 = arith.constant 1824 : index
      %get3A_566 = tpu.vector_load %arg9[%get3A_565] {strides = array<i32>} : memref<2048xf32, #tpu.memory_space<vmem>>, vector<16xf32>,
      %get3A_567 = vector.shape_cast %get3A_566 : vector<16xf32> to vector<16xf32>
      %max3A_568 = arith.maximumf %max3A_536, %get3A_567 : vector<16xf32>
      %get3A_569 = arith.constant 1840 : index
      %get3A_570 = tpu.vector_load %arg9[%get3A_569] {strides = array<i32>} : memref<2048xf32, #tpu.memory_space<vmem>>, vector<16xf32>,
      %get3A_571 = vector.shape_cast %get3A_570 : vector<16xf32> to vector<16xf32>
      %max3A_572 = arith.maximumf %max3A_540, %get3A_571 : vector<16xf32>
      %get3A_573 = arith.constant 1856 : index
      %get3A_574 = tpu.vector_load %arg9[%get3A_573] {strides = array<i32>} : memref<2048xf32, #tpu.memory_space<vmem>>, vector<16xf32>,
      %get3A_575 = vector.shape_cast %get3A_574 : vector<16xf32> to vector<16xf32>
      %max3A_576 = arith.maximumf %max3A_544, %get3A_575 : vector<16xf32>
      %get3A_577 = arith.constant 1872 : index
      %get3A_578 = tpu.vector_load %arg9[%get3A_577] {strides = array<i32>} : memref<2048xf32, #tpu.memory_space<vmem>>, vector<16xf32>,
      %get3A_579 = vector.shape_cast %get3A_578 : vector<16xf32> to vector<16xf32>
      %max3A_580 = arith.maximumf %max3A_548, %get3A_579 : vector<16xf32>
      %get3A_581 = arith.constant 1888 : index
      %get3A_582 = tpu.vector_load %arg9[%get3A_581] {strides = array<i32>} : memref<2048xf32, #tpu.memory_space<vmem>>, vector<16xf32>,
      %get3A_583 = vector.shape_cast %get3A_582 : vector<16xf32> to vector<16xf32>
      %max3A_584 = arith.maximumf %max3A_552, %get3A_583 : vector<16xf32>
      %get3A_585 = arith.constant 1904 : index
      %get3A_586 = tpu.vector_load %arg9[%get3A_585] {strides = array<i32>} : memref<2048xf32, #tpu.memory_space<vmem>>, vector<16xf32>,
      %get3A_587 = vector.shape_cast %get3A_586 : vector<16xf32> to vector<16xf32>
      %max3A_588 = arith.maximumf %max3A_556, %get3A_587 : vector<16xf32>
      %get3A_589 = arith.constant 1920 : index
      %get3A_590 = tpu.vector_load %arg9[%get3A_589] {strides = array<i32>} : memref<2048xf32, #tpu.memory_space<vmem>>, vector<16xf32>,
      %get3A_591 = vector.shape_cast %get3A_590 : vector<16xf32> to vector<16xf32>
      %max3A_592 = arith.maximumf %max3A_560, %get3A_591 : vector<16xf32>
      %get3A_593 = arith.constant 1936 : index
      %get3A_594 = tpu.vector_load %arg9[%get3A_593] {strides = array<i32>} : memref<2048xf32, #tpu.memory_space<vmem>>, vector<16xf32>,
      %get3A_595 = vector.shape_cast %get3A_594 : vector<16xf32> to vector<16xf32>
      %max3A_596 = arith.maximumf %max3A_564, %get3A_595 : vector<16xf32>
      %get3A_597 = arith.constant 1952 : index
      %get3A_598 = tpu.vector_load %arg9[%get3A_597] {strides = array<i32>} : memref<2048xf32, #tpu.memory_space<vmem>>, vector<16xf32>,
      %get3A_599 = vector.shape_cast %get3A_598 : vector<16xf32> to vector<16xf32>
      %max3A_600 = arith.maximumf %max3A_568, %get3A_599 : vector<16xf32>
      %get3A_601 = arith.constant 1968 : index
      %get3A_602 = tpu.vector_load %arg9[%get3A_601] {strides = array<i32>} : memref<2048xf32, #tpu.memory_space<vmem>>, vector<16xf32>,
      %get3A_603 = vector.shape_cast %get3A_602 : vector<16xf32> to vector<16xf32>
      %max3A_604 = arith.maximumf %max3A_572, %get3A_603 : vector<16xf32>
      %get3A_605 = arith.constant 1984 : index
      %get3A_606 = tpu.vector_load %arg9[%get3A_605] {strides = array<i32>} : memref<2048xf32, #tpu.memory_space<vmem>>, vector<16xf32>,
      %get3A_607 = vector.shape_cast %get3A_606 : vector<16xf32> to vector<16xf32>
      %max3A_608 = arith.maximumf %max3A_576, %get3A_607 : vector<16xf32>
      %get3A_609 = arith.constant 2000 : index
      %get3A_610 = tpu.vector_load %arg9[%get3A_609] {strides = array<i32>} : memref<2048xf32, #tpu.memory_space<vmem>>, vector<16xf32>,
      %get3A_611 = vector.shape_cast %get3A_610 : vector<16xf32> to vector<16xf32>
      %max3A_612 = arith.maximumf %max3A_580, %get3A_611 : vector<16xf32>
      %get3A_613 = arith.constant 2016 : index
      %get3A_614 = tpu.vector_load %arg9[%get3A_613] {strides = array<i32>} : memref<2048xf32, #tpu.memory_space<vmem>>, vector<16xf32>,
      %get3A_615 = vector.shape_cast %get3A_614 : vector<16xf32> to vector<16xf32>
      %max3A_616 = arith.maximumf %max3A_584, %get3A_615 : vector<16xf32>
      %get3A_617 = arith.constant 2032 : index
      %get3A_618 = tpu.vector_load %arg9[%get3A_617] {strides = array<i32>} : memref<2048xf32, #tpu.memory_space<vmem>>, vector<16xf32>,
      %get3A_619 = vector.shape_cast %get3A_618 : vector<16xf32> to vector<16xf32>
      %max3A_620 = arith.maximumf %max3A_588, %get3A_619 : vector<16xf32>
      %lt3A_621 = arith.constant 0 : i32
      %lt3A_622 = vector.broadcast %lt3A_621 : i32 to vector<16xi32>
      %lt3A_623 = arith.cmpi slt, %select_n3A, %lt3A_622 : vector<16xi32>
      %add3A_624 = arith.constant 16 : i32
      %add3A_625 = vector.broadcast %add3A_624 : i32 to vector<16xi32>
      %add3A_626 = arith.addi %select_n3A, %add3A_625 : vector<16xi32>
      %select_n3A_627 = arith.select %lt3A_623, %add3A_626, %select_n3A : vector<16xi1>, vector<16xi32>
      %broadcast_in_dim3A_628 = vector.shape_cast %select_n3A_627 : vector<16xi32> to vector<16x1xi32>
      %gather3A = vector.shape_cast %broadcast_in_dim3A_628 : vector<16x1xi32> to vector<16xi32>
      %gather3A_629 = tpu.dynamic_gather %max3A_592[%gather3A] in [0] : vector<16xf32>, vector<16xi32> -> vector<16xf32>
      %max3A_630 = arith.maximumf %max3A_592, %gather3A_629 : vector<16xf32>
      %lt3A_631 = arith.constant 0 : i32
      %lt3A_632 = vector.broadcast %lt3A_631 : i32 to vector<16xi32>
      %lt3A_633 = arith.cmpi slt, %select_n3A_19, %lt3A_632 : vector<16xi32>
      %add3A_634 = arith.constant 16 : i32
      %add3A_635 = vector.broadcast %add3A_634 : i32 to vector<16xi32>
      %add3A_636 = arith.addi %select_n3A_19, %add3A_635 : vector<16xi32>
      %select_n3A_637 = arith.select %lt3A_633, %add3A_636, %select_n3A_19 : vector<16xi1>, vector<16xi32>
      %broadcast_in_dim3A_638 = vector.shape_cast %select_n3A_637 : vector<16xi32> to vector<16x1xi32>
      %gather3A_639 = vector.shape_cast %broadcast_in_dim3A_638 : vector<16x1xi32> to vector<16xi32>
      %gather3A_640 = tpu.dynamic_gather %max3A_630[%gather3A_639] in [0] : vector<16xf32>, vector<16xi32> -> vector<16xf32>
      %max3A_641 = arith.maximumf %max3A_630, %gather3A_640 : vector<16xf32>
      %lt3A_642 = arith.constant 0 : i32
      %lt3A_643 = vector.broadcast %lt3A_642 : i32 to vector<16xi32>
      %lt3A_644 = arith.cmpi slt, %select_n3A_29, %lt3A_643 : vector<16xi32>
      %add3A_645 = arith.constant 16 : i32
      %add3A_646 = vector.broadcast %add3A_645 : i32 to vector<16xi32>
      %add3A_647 = arith.addi %select_n3A_29, %add3A_646 : vector<16xi32>
      %select_n3A_648 = arith.select %lt3A_644, %add3A_647, %select_n3A_29 : vector<16xi1>, vector<16xi32>
      %broadcast_in_dim3A_649 = vector.shape_cast %select_n3A_648 : vector<16xi32> to vector<16x1xi32>
      %gather3A_650 = vector.shape_cast %broadcast_in_dim3A_649 : vector<16x1xi32> to vector<16xi32>
      %gather3A_651 = tpu.dynamic_gather %max3A_641[%gather3A_650] in [0] : vector<16xf32>, vector<16xi32> -> vector<16xf32>
      %max3A_652 = arith.maximumf %max3A_641, %gather3A_651 : vector<16xf32>
      %lt3A_653 = arith.constant 0 : i32
      %lt3A_654 = vector.broadcast %lt3A_653 : i32 to vector<16xi32>
      %lt3A_655 = arith.cmpi slt, %select_n3A_39, %lt3A_654 : vector<16xi32>
      %add3A_656 = arith.constant 16 : i32
      %add3A_657 = vector.broadcast %add3A_656 : i32 to vector<16xi32>
      %add3A_658 = arith.addi %select_n3A_39, %add3A_657 : vector<16xi32>
      %select_n3A_659 = arith.select %lt3A_655, %add3A_658, %select_n3A_39 : vector<16xi1>, vector<16xi32>
      %broadcast_in_dim3A_660 = vector.shape_cast %select_n3A_659 : vector<16xi32> to vector<16x1xi32>
      %gather3A_661 = vector.shape_cast %broadcast_in_dim3A_660 : vector<16x1xi32> to vector<16xi32>
      %gather3A_662 = tpu.dynamic_gather %max3A_652[%gather3A_661] in [0] : vector<16xf32>, vector<16xi32> -> vector<16xf32>
      %max3A_663 = arith.maximumf %max3A_652, %gather3A_662 : vector<16xf32>
      %mul3A_664 = arith.mulf %add3A_2, %max3A_663 : vector<16xf32>
      %add3A_665 = arith.addf %broadcast_in_dim3A_0, %mul3A_664 : vector<16xf32>
      %ne3A_666 = arith.cmpi ne, %squeeze3A, %squeeze3A_43 : i32
      %select_n3A_667 = arith.select %ne3A_666, %add3A_2, %broadcast_in_dim3A_0 : vector<16xf32>
      %mul3A_668 = arith.mulf %add3A_2, %select_n3A_667 : vector<16xf32>
      %lt3A_669 = arith.constant 0 : i32
      %lt3A_670 = vector.broadcast %lt3A_669 : i32 to vector<16xi32>
      %lt3A_671 = arith.cmpi slt, %select_n3A, %lt3A_670 : vector<16xi32>
      %add3A_672 = arith.constant 16 : i32
      %add3A_673 = vector.broadcast %add3A_672 : i32 to vector<16xi32>
      %add3A_674 = arith.addi %select_n3A, %add3A_673 : vector<16xi32>
      %select_n3A_675 = arith.select %lt3A_671, %add3A_674, %select_n3A : vector<16xi1>, vector<16xi32>
      %broadcast_in_dim3A_676 = vector.shape_cast %select_n3A_675 : vector<16xi32> to vector<16x1xi32>
      %gather3A_677 = vector.shape_cast %broadcast_in_dim3A_676 : vector<16x1xi32> to vector<16xi32>
      %gather3A_678 = tpu.dynamic_gather %max3A_596[%gather3A_677] in [0] : vector<16xf32>, vector<16xi32> -> vector<16xf32>
      %max3A_679 = arith.maximumf %max3A_596, %gather3A_678 : vector<16xf32>
      %lt3A_680 = arith.constant 0 : i32
      %lt3A_681 = vector.broadcast %lt3A_680 : i32 to vector<16xi32>
      %lt3A_682 = arith.cmpi slt, %select_n3A_19, %lt3A_681 : vector<16xi32>
      %add3A_683 = arith.constant 16 : i32
      %add3A_684 = vector.broadcast %add3A_683 : i32 to vector<16xi32>
      %add3A_685 = arith.addi %select_n3A_19, %add3A_684 : vector<16xi32>
      %select_n3A_686 = arith.select %lt3A_682, %add3A_685, %select_n3A_19 : vector<16xi1>, vector<16xi32>
      %broadcast_in_dim3A_687 = vector.shape_cast %select_n3A_686 : vector<16xi32> to vector<16x1xi32>
      %gather3A_688 = vector.shape_cast %broadcast_in_dim3A_687 : vector<16x1xi32> to vector<16xi32>
      %gather3A_689 = tpu.dynamic_gather %max3A_679[%gather3A_688] in [0] : vector<16xf32>, vector<16xi32> -> vector<16xf32>
      %max3A_690 = arith.maximumf %max3A_679, %gather3A_689 : vector<16xf32>
      %lt3A_691 = arith.constant 0 : i32
      %lt3A_692 = vector.broadcast %lt3A_691 : i32 to vector<16xi32>
      %lt3A_693 = arith.cmpi slt, %select_n3A_29, %lt3A_692 : vector<16xi32>
      %add3A_694 = arith.constant 16 : i32
      %add3A_695 = vector.broadcast %add3A_694 : i32 to vector<16xi32>
      %add3A_696 = arith.addi %select_n3A_29, %add3A_695 : vector<16xi32>
      %select_n3A_697 = arith.select %lt3A_693, %add3A_696, %select_n3A_29 : vector<16xi1>, vector<16xi32>
      %broadcast_in_dim3A_698 = vector.shape_cast %select_n3A_697 : vector<16xi32> to vector<16x1xi32>
      %gather3A_699 = vector.shape_cast %broadcast_in_dim3A_698 : vector<16x1xi32> to vector<16xi32>
      %gather3A_700 = tpu.dynamic_gather %max3A_690[%gather3A_699] in [0] : vector<16xf32>, vector<16xi32> -> vector<16xf32>
      %max3A_701 = arith.maximumf %max3A_690, %gather3A_700 : vector<16xf32>
      %lt3A_702 = arith.constant 0 : i32
      %lt3A_703 = vector.broadcast %lt3A_702 : i32 to vector<16xi32>
      %lt3A_704 = arith.cmpi slt, %select_n3A_39, %lt3A_703 : vector<16xi32>
      %add3A_705 = arith.constant 16 : i32
      %add3A_706 = vector.broadcast %add3A_705 : i32 to vector<16xi32>
      %add3A_707 = arith.addi %select_n3A_39, %add3A_706 : vector<16xi32>
      %select_n3A_708 = arith.select %lt3A_704, %add3A_707, %select_n3A_39 : vector<16xi1>, vector<16xi32>
      %broadcast_in_dim3A_709 = vector.shape_cast %select_n3A_708 : vector<16xi32> to vector<16x1xi32>
      %gather3A_710 = vector.shape_cast %broadcast_in_dim3A_709 : vector<16x1xi32> to vector<16xi32>
      %gather3A_711 = tpu.dynamic_gather %max3A_701[%gather3A_710] in [0] : vector<16xf32>, vector<16xi32> -> vector<16xf32>
      %max3A_712 = arith.maximumf %max3A_701, %gather3A_711 : vector<16xf32>
      %mul3A_713 = arith.mulf %mul3A_668, %max3A_712 : vector<16xf32>
      %add3A_714 = arith.addf %add3A_665, %mul3A_713 : vector<16xf32>
      %ne3A_715 = arith.cmpi ne, %squeeze3A, %squeeze3A_45 : i32
      %select_n3A_716 = arith.select %ne3A_715, %add3A_2, %broadcast_in_dim3A_0 : vector<16xf32>
      %mul3A_717 = arith.mulf %add3A_2, %select_n3A_716 : vector<16xf32>
      %ne3A_718 = arith.cmpi ne, %squeeze3A_43, %squeeze3A_45 : i32
      %select_n3A_719 = arith.select %ne3A_718, %add3A_2, %broadcast_in_dim3A_0 : vector<16xf32>
      %mul3A_720 = arith.mulf %mul3A_717, %select_n3A_719 : vector<16xf32>
      %lt3A_721 = arith.constant 0 : i32
      %lt3A_722 = vector.broadcast %lt3A_721 : i32 to vector<16xi32>
      %lt3A_723 = arith.cmpi slt, %select_n3A, %lt3A_722 : vector<16xi32>
      %add3A_724 = arith.constant 16 : i32
      %add3A_725 = vector.broadcast %add3A_724 : i32 to vector<16xi32>
      %add3A_726 = arith.addi %select_n3A, %add3A_725 : vector<16xi32>
      %select_n3A_727 = arith.select %lt3A_723, %add3A_726, %select_n3A : vector<16xi1>, vector<16xi32>
      %broadcast_in_dim3A_728 = vector.shape_cast %select_n3A_727 : vector<16xi32> to vector<16x1xi32>
      %gather3A_729 = vector.shape_cast %broadcast_in_dim3A_728 : vector<16x1xi32> to vector<16xi32>
      %gather3A_730 = tpu.dynamic_gather %max3A_600[%gather3A_729] in [0] : vector<16xf32>, vector<16xi32> -> vector<16xf32>
      %max3A_731 = arith.maximumf %max3A_600, %gather3A_730 : vector<16xf32>
      %lt3A_732 = arith.constant 0 : i32
      %lt3A_733 = vector.broadcast %lt3A_732 : i32 to vector<16xi32>
      %lt3A_734 = arith.cmpi slt, %select_n3A_19, %lt3A_733 : vector<16xi32>
      %add3A_735 = arith.constant 16 : i32
      %add3A_736 = vector.broadcast %add3A_735 : i32 to vector<16xi32>
      %add3A_737 = arith.addi %select_n3A_19, %add3A_736 : vector<16xi32>
      %select_n3A_738 = arith.select %lt3A_734, %add3A_737, %select_n3A_19 : vector<16xi1>, vector<16xi32>
      %broadcast_in_dim3A_739 = vector.shape_cast %select_n3A_738 : vector<16xi32> to vector<16x1xi32>
      %gather3A_740 = vector.shape_cast %broadcast_in_dim3A_739 : vector<16x1xi32> to vector<16xi32>
      %gather3A_741 = tpu.dynamic_gather %max3A_731[%gather3A_740] in [0] : vector<16xf32>, vector<16xi32> -> vector<16xf32>
      %max3A_742 = arith.maximumf %max3A_731, %gather3A_741 : vector<16xf32>
      %lt3A_743 = arith.constant 0 : i32
      %lt3A_744 = vector.broadcast %lt3A_743 : i32 to vector<16xi32>
      %lt3A_745 = arith.cmpi slt, %select_n3A_29, %lt3A_744 : vector<16xi32>
      %add3A_746 = arith.constant 16 : i32
      %add3A_747 = vector.broadcast %add3A_746 : i32 to vector<16xi32>
      %add3A_748 = arith.addi %select_n3A_29, %add3A_747 : vector<16xi32>
      %select_n3A_749 = arith.select %lt3A_745, %add3A_748, %select_n3A_29 : vector<16xi1>, vector<16xi32>
      %broadcast_in_dim3A_750 = vector.shape_cast %select_n3A_749 : vector<16xi32> to vector<16x1xi32>
      %gather3A_751 = vector.shape_cast %broadcast_in_dim3A_750 : vector<16x1xi32> to vector<16xi32>
      %gather3A_752 = tpu.dynamic_gather %max3A_742[%gather3A_751] in [0] : vector<16xf32>, vector<16xi32> -> vector<16xf32>
      %max3A_753 = arith.maximumf %max3A_742, %gather3A_752 : vector<16xf32>
      %lt3A_754 = arith.constant 0 : i32
      %lt3A_755 = vector.broadcast %lt3A_754 : i32 to vector<16xi32>
      %lt3A_756 = arith.cmpi slt, %select_n3A_39, %lt3A_755 : vector<16xi32>
      %add3A_757 = arith.constant 16 : i32
      %add3A_758 = vector.broadcast %add3A_757 : i32 to vector<16xi32>
      %add3A_759 = arith.addi %select_n3A_39, %add3A_758 : vector<16xi32>
      %select_n3A_760 = arith.select %lt3A_756, %add3A_759, %select_n3A_39 : vector<16xi1>, vector<16xi32>
      %broadcast_in_dim3A_761 = vector.shape_cast %select_n3A_760 : vector<16xi32> to vector<16x1xi32>
      %gather3A_762 = vector.shape_cast %broadcast_in_dim3A_761 : vector<16x1xi32> to vector<16xi32>
      %gather3A_763 = tpu.dynamic_gather %max3A_753[%gather3A_762] in [0] : vector<16xf32>, vector<16xi32> -> vector<16xf32>
      %max3A_764 = arith.maximumf %max3A_753, %gather3A_763 : vector<16xf32>
      %mul3A_765 = arith.mulf %mul3A_720, %max3A_764 : vector<16xf32>
      %add3A_766 = arith.addf %add3A_714, %mul3A_765 : vector<16xf32>
      %ne3A_767 = arith.cmpi ne, %squeeze3A, %squeeze3A_47 : i32
      %select_n3A_768 = arith.select %ne3A_767, %add3A_2, %broadcast_in_dim3A_0 : vector<16xf32>
      %mul3A_769 = arith.mulf %add3A_2, %select_n3A_768 : vector<16xf32>
      %ne3A_770 = arith.cmpi ne, %squeeze3A_43, %squeeze3A_47 : i32
      %select_n3A_771 = arith.select %ne3A_770, %add3A_2, %broadcast_in_dim3A_0 : vector<16xf32>
      %mul3A_772 = arith.mulf %mul3A_769, %select_n3A_771 : vector<16xf32>
      %ne3A_773 = arith.cmpi ne, %squeeze3A_45, %squeeze3A_47 : i32
      %select_n3A_774 = arith.select %ne3A_773, %add3A_2, %broadcast_in_dim3A_0 : vector<16xf32>
      %mul3A_775 = arith.mulf %mul3A_772, %select_n3A_774 : vector<16xf32>
      %lt3A_776 = arith.constant 0 : i32
      %lt3A_777 = vector.broadcast %lt3A_776 : i32 to vector<16xi32>
      %lt3A_778 = arith.cmpi slt, %select_n3A, %lt3A_777 : vector<16xi32>
      %add3A_779 = arith.constant 16 : i32
      %add3A_780 = vector.broadcast %add3A_779 : i32 to vector<16xi32>
      %add3A_781 = arith.addi %select_n3A, %add3A_780 : vector<16xi32>
      %select_n3A_782 = arith.select %lt3A_778, %add3A_781, %select_n3A : vector<16xi1>, vector<16xi32>
      %broadcast_in_dim3A_783 = vector.shape_cast %select_n3A_782 : vector<16xi32> to vector<16x1xi32>
      %gather3A_784 = vector.shape_cast %broadcast_in_dim3A_783 : vector<16x1xi32> to vector<16xi32>
      %gather3A_785 = tpu.dynamic_gather %max3A_604[%gather3A_784] in [0] : vector<16xf32>, vector<16xi32> -> vector<16xf32>
      %max3A_786 = arith.maximumf %max3A_604, %gather3A_785 : vector<16xf32>
      %lt3A_787 = arith.constant 0 : i32
      %lt3A_788 = vector.broadcast %lt3A_787 : i32 to vector<16xi32>
      %lt3A_789 = arith.cmpi slt, %select_n3A_19, %lt3A_788 : vector<16xi32>
      %add3A_790 = arith.constant 16 : i32
      %add3A_791 = vector.broadcast %add3A_790 : i32 to vector<16xi32>
      %add3A_792 = arith.addi %select_n3A_19, %add3A_791 : vector<16xi32>
      %select_n3A_793 = arith.select %lt3A_789, %add3A_792, %select_n3A_19 : vector<16xi1>, vector<16xi32>
      %broadcast_in_dim3A_794 = vector.shape_cast %select_n3A_793 : vector<16xi32> to vector<16x1xi32>
      %gather3A_795 = vector.shape_cast %broadcast_in_dim3A_794 : vector<16x1xi32> to vector<16xi32>
      %gather3A_796 = tpu.dynamic_gather %max3A_786[%gather3A_795] in [0] : vector<16xf32>, vector<16xi32> -> vector<16xf32>
      %max3A_797 = arith.maximumf %max3A_786, %gather3A_796 : vector<16xf32>
      %lt3A_798 = arith.constant 0 : i32
      %lt3A_799 = vector.broadcast %lt3A_798 : i32 to vector<16xi32>
      %lt3A_800 = arith.cmpi slt, %select_n3A_29, %lt3A_799 : vector<16xi32>
      %add3A_801 = arith.constant 16 : i32
      %add3A_802 = vector.broadcast %add3A_801 : i32 to vector<16xi32>
      %add3A_803 = arith.addi %select_n3A_29, %add3A_802 : vector<16xi32>
      %select_n3A_804 = arith.select %lt3A_800, %add3A_803, %select_n3A_29 : vector<16xi1>, vector<16xi32>
      %broadcast_in_dim3A_805 = vector.shape_cast %select_n3A_804 : vector<16xi32> to vector<16x1xi32>
      %gather3A_806 = vector.shape_cast %broadcast_in_dim3A_805 : vector<16x1xi32> to vector<16xi32>
      %gather3A_807 = tpu.dynamic_gather %max3A_797[%gather3A_806] in [0] : vector<16xf32>, vector<16xi32> -> vector<16xf32>
      %max3A_808 = arith.maximumf %max3A_797, %gather3A_807 : vector<16xf32>
      %lt3A_809 = arith.constant 0 : i32
      %lt3A_810 = vector.broadcast %lt3A_809 : i32 to vector<16xi32>
      %lt3A_811 = arith.cmpi slt, %select_n3A_39, %lt3A_810 : vector<16xi32>
      %add3A_812 = arith.constant 16 : i32
      %add3A_813 = vector.broadcast %add3A_812 : i32 to vector<16xi32>
      %add3A_814 = arith.addi %select_n3A_39, %add3A_813 : vector<16xi32>
      %select_n3A_815 = arith.select %lt3A_811, %add3A_814, %select_n3A_39 : vector<16xi1>, vector<16xi32>
      %broadcast_in_dim3A_816 = vector.shape_cast %select_n3A_815 : vector<16xi32> to vector<16x1xi32>
      %gather3A_817 = vector.shape_cast %broadcast_in_dim3A_816 : vector<16x1xi32> to vector<16xi32>
      %gather3A_818 = tpu.dynamic_gather %max3A_808[%gather3A_817] in [0] : vector<16xf32>, vector<16xi32> -> vector<16xf32>
      %max3A_819 = arith.maximumf %max3A_808, %gather3A_818 : vector<16xf32>
      %mul3A_820 = arith.mulf %mul3A_775, %max3A_819 : vector<16xf32>
      %add3A_821 = arith.addf %add3A_766, %mul3A_820 : vector<16xf32>
      %ne3A_822 = arith.cmpi ne, %squeeze3A, %squeeze3A_49 : i32
      %select_n3A_823 = arith.select %ne3A_822, %add3A_2, %broadcast_in_dim3A_0 : vector<16xf32>
      %mul3A_824 = arith.mulf %add3A_2, %select_n3A_823 : vector<16xf32>
      %ne3A_825 = arith.cmpi ne, %squeeze3A_43, %squeeze3A_49 : i32
      %select_n3A_826 = arith.select %ne3A_825, %add3A_2, %broadcast_in_dim3A_0 : vector<16xf32>
      %mul3A_827 = arith.mulf %mul3A_824, %select_n3A_826 : vector<16xf32>
      %ne3A_828 = arith.cmpi ne, %squeeze3A_45, %squeeze3A_49 : i32
      %select_n3A_829 = arith.select %ne3A_828, %add3A_2, %broadcast_in_dim3A_0 : vector<16xf32>
      %mul3A_830 = arith.mulf %mul3A_827, %select_n3A_829 : vector<16xf32>
      %ne3A_831 = arith.cmpi ne, %squeeze3A_47, %squeeze3A_49 : i32
      %select_n3A_832 = arith.select %ne3A_831, %add3A_2, %broadcast_in_dim3A_0 : vector<16xf32>
      %mul3A_833 = arith.mulf %mul3A_830, %select_n3A_832 : vector<16xf32>
      %lt3A_834 = arith.constant 0 : i32
      %lt3A_835 = vector.broadcast %lt3A_834 : i32 to vector<16xi32>
      %lt3A_836 = arith.cmpi slt, %select_n3A, %lt3A_835 : vector<16xi32>
      %add3A_837 = arith.constant 16 : i32
      %add3A_838 = vector.broadcast %add3A_837 : i32 to vector<16xi32>
      %add3A_839 = arith.addi %select_n3A, %add3A_838 : vector<16xi32>
      %select_n3A_840 = arith.select %lt3A_836, %add3A_839, %select_n3A : vector<16xi1>, vector<16xi32>
      %broadcast_in_dim3A_841 = vector.shape_cast %select_n3A_840 : vector<16xi32> to vector<16x1xi32>
      %gather3A_842 = vector.shape_cast %broadcast_in_dim3A_841 : vector<16x1xi32> to vector<16xi32>
      %gather3A_843 = tpu.dynamic_gather %max3A_608[%gather3A_842] in [0] : vector<16xf32>, vector<16xi32> -> vector<16xf32>
      %max3A_844 = arith.maximumf %max3A_608, %gather3A_843 : vector<16xf32>
      %lt3A_845 = arith.constant 0 : i32
      %lt3A_846 = vector.broadcast %lt3A_845 : i32 to vector<16xi32>
      %lt3A_847 = arith.cmpi slt, %select_n3A_19, %lt3A_846 : vector<16xi32>
      %add3A_848 = arith.constant 16 : i32
      %add3A_849 = vector.broadcast %add3A_848 : i32 to vector<16xi32>
      %add3A_850 = arith.addi %select_n3A_19, %add3A_849 : vector<16xi32>
      %select_n3A_851 = arith.select %lt3A_847, %add3A_850, %select_n3A_19 : vector<16xi1>, vector<16xi32>
      %broadcast_in_dim3A_852 = vector.shape_cast %select_n3A_851 : vector<16xi32> to vector<16x1xi32>
      %gather3A_853 = vector.shape_cast %broadcast_in_dim3A_852 : vector<16x1xi32> to vector<16xi32>
      %gather3A_854 = tpu.dynamic_gather %max3A_844[%gather3A_853] in [0] : vector<16xf32>, vector<16xi32> -> vector<16xf32>
      %max3A_855 = arith.maximumf %max3A_844, %gather3A_854 : vector<16xf32>
      %lt3A_856 = arith.constant 0 : i32
      %lt3A_857 = vector.broadcast %lt3A_856 : i32 to vector<16xi32>
      %lt3A_858 = arith.cmpi slt, %select_n3A_29, %lt3A_857 : vector<16xi32>
      %add3A_859 = arith.constant 16 : i32
      %add3A_860 = vector.broadcast %add3A_859 : i32 to vector<16xi32>
      %add3A_861 = arith.addi %select_n3A_29, %add3A_860 : vector<16xi32>
      %select_n3A_862 = arith.select %lt3A_858, %add3A_861, %select_n3A_29 : vector<16xi1>, vector<16xi32>
      %broadcast_in_dim3A_863 = vector.shape_cast %select_n3A_862 : vector<16xi32> to vector<16x1xi32>
      %gather3A_864 = vector.shape_cast %broadcast_in_dim3A_863 : vector<16x1xi32> to vector<16xi32>
      %gather3A_865 = tpu.dynamic_gather %max3A_855[%gather3A_864] in [0] : vector<16xf32>, vector<16xi32> -> vector<16xf32>
      %max3A_866 = arith.maximumf %max3A_855, %gather3A_865 : vector<16xf32>
      %lt3A_867 = arith.constant 0 : i32
      %lt3A_868 = vector.broadcast %lt3A_867 : i32 to vector<16xi32>
      %lt3A_869 = arith.cmpi slt, %select_n3A_39, %lt3A_868 : vector<16xi32>
      %add3A_870 = arith.constant 16 : i32
      %add3A_871 = vector.broadcast %add3A_870 : i32 to vector<16xi32>
      %add3A_872 = arith.addi %select_n3A_39, %add3A_871 : vector<16xi32>
      %select_n3A_873 = arith.select %lt3A_869, %add3A_872, %select_n3A_39 : vector<16xi1>, vector<16xi32>
      %broadcast_in_dim3A_874 = vector.shape_cast %select_n3A_873 : vector<16xi32> to vector<16x1xi32>
      %gather3A_875 = vector.shape_cast %broadcast_in_dim3A_874 : vector<16x1xi32> to vector<16xi32>
      %gather3A_876 = tpu.dynamic_gather %max3A_866[%gather3A_875] in [0] : vector<16xf32>, vector<16xi32> -> vector<16xf32>
      %max3A_877 = arith.maximumf %max3A_866, %gather3A_876 : vector<16xf32>
      %mul3A_878 = arith.mulf %mul3A_833, %max3A_877 : vector<16xf32>
      %add3A_879 = arith.addf %add3A_821, %mul3A_878 : vector<16xf32>
      %ne3A_880 = arith.cmpi ne, %squeeze3A, %squeeze3A_51 : i32
      %select_n3A_881 = arith.select %ne3A_880, %add3A_2, %broadcast_in_dim3A_0 : vector<16xf32>
      %mul3A_882 = arith.mulf %add3A_2, %select_n3A_881 : vector<16xf32>
      %ne3A_883 = arith.cmpi ne, %squeeze3A_43, %squeeze3A_51 : i32
      %select_n3A_884 = arith.select %ne3A_883, %add3A_2, %broadcast_in_dim3A_0 : vector<16xf32>
      %mul3A_885 = arith.mulf %mul3A_882, %select_n3A_884 : vector<16xf32>
      %ne3A_886 = arith.cmpi ne, %squeeze3A_45, %squeeze3A_51 : i32
      %select_n3A_887 = arith.select %ne3A_886, %add3A_2, %broadcast_in_dim3A_0 : vector<16xf32>
      %mul3A_888 = arith.mulf %mul3A_885, %select_n3A_887 : vector<16xf32>
      %ne3A_889 = arith.cmpi ne, %squeeze3A_47, %squeeze3A_51 : i32
      %select_n3A_890 = arith.select %ne3A_889, %add3A_2, %broadcast_in_dim3A_0 : vector<16xf32>
      %mul3A_891 = arith.mulf %mul3A_888, %select_n3A_890 : vector<16xf32>
      %ne3A_892 = arith.cmpi ne, %squeeze3A_49, %squeeze3A_51 : i32
      %select_n3A_893 = arith.select %ne3A_892, %add3A_2, %broadcast_in_dim3A_0 : vector<16xf32>
      %mul3A_894 = arith.mulf %mul3A_891, %select_n3A_893 : vector<16xf32>
      %lt3A_895 = arith.constant 0 : i32
      %lt3A_896 = vector.broadcast %lt3A_895 : i32 to vector<16xi32>
      %lt3A_897 = arith.cmpi slt, %select_n3A, %lt3A_896 : vector<16xi32>
      %add3A_898 = arith.constant 16 : i32
      %add3A_899 = vector.broadcast %add3A_898 : i32 to vector<16xi32>
      %add3A_900 = arith.addi %select_n3A, %add3A_899 : vector<16xi32>
      %select_n3A_901 = arith.select %lt3A_897, %add3A_900, %select_n3A : vector<16xi1>, vector<16xi32>
      %broadcast_in_dim3A_902 = vector.shape_cast %select_n3A_901 : vector<16xi32> to vector<16x1xi32>
      %gather3A_903 = vector.shape_cast %broadcast_in_dim3A_902 : vector<16x1xi32> to vector<16xi32>
      %gather3A_904 = tpu.dynamic_gather %max3A_612[%gather3A_903] in [0] : vector<16xf32>, vector<16xi32> -> vector<16xf32>
      %max3A_905 = arith.maximumf %max3A_612, %gather3A_904 : vector<16xf32>
      %lt3A_906 = arith.constant 0 : i32
      %lt3A_907 = vector.broadcast %lt3A_906 : i32 to vector<16xi32>
      %lt3A_908 = arith.cmpi slt, %select_n3A_19, %lt3A_907 : vector<16xi32>
      %add3A_909 = arith.constant 16 : i32
      %add3A_910 = vector.broadcast %add3A_909 : i32 to vector<16xi32>
      %add3A_911 = arith.addi %select_n3A_19, %add3A_910 : vector<16xi32>
      %select_n3A_912 = arith.select %lt3A_908, %add3A_911, %select_n3A_19 : vector<16xi1>, vector<16xi32>
      %broadcast_in_dim3A_913 = vector.shape_cast %select_n3A_912 : vector<16xi32> to vector<16x1xi32>
      %gather3A_914 = vector.shape_cast %broadcast_in_dim3A_913 : vector<16x1xi32> to vector<16xi32>
      %gather3A_915 = tpu.dynamic_gather %max3A_905[%gather3A_914] in [0] : vector<16xf32>, vector<16xi32> -> vector<16xf32>
      %max3A_916 = arith.maximumf %max3A_905, %gather3A_915 : vector<16xf32>
      %lt3A_917 = arith.constant 0 : i32
      %lt3A_918 = vector.broadcast %lt3A_917 : i32 to vector<16xi32>
      %lt3A_919 = arith.cmpi slt, %select_n3A_29, %lt3A_918 : vector<16xi32>
      %add3A_920 = arith.constant 16 : i32
      %add3A_921 = vector.broadcast %add3A_920 : i32 to vector<16xi32>
      %add3A_922 = arith.addi %select_n3A_29, %add3A_921 : vector<16xi32>
      %select_n3A_923 = arith.select %lt3A_919, %add3A_922, %select_n3A_29 : vector<16xi1>, vector<16xi32>
      %broadcast_in_dim3A_924 = vector.shape_cast %select_n3A_923 : vector<16xi32> to vector<16x1xi32>
      %gather3A_925 = vector.shape_cast %broadcast_in_dim3A_924 : vector<16x1xi32> to vector<16xi32>
      %gather3A_926 = tpu.dynamic_gather %max3A_916[%gather3A_925] in [0] : vector<16xf32>, vector<16xi32> -> vector<16xf32>
      %max3A_927 = arith.maximumf %max3A_916, %gather3A_926 : vector<16xf32>
      %lt3A_928 = arith.constant 0 : i32
      %lt3A_929 = vector.broadcast %lt3A_928 : i32 to vector<16xi32>
      %lt3A_930 = arith.cmpi slt, %select_n3A_39, %lt3A_929 : vector<16xi32>
      %add3A_931 = arith.constant 16 : i32
      %add3A_932 = vector.broadcast %add3A_931 : i32 to vector<16xi32>
      %add3A_933 = arith.addi %select_n3A_39, %add3A_932 : vector<16xi32>
      %select_n3A_934 = arith.select %lt3A_930, %add3A_933, %select_n3A_39 : vector<16xi1>, vector<16xi32>
      %broadcast_in_dim3A_935 = vector.shape_cast %select_n3A_934 : vector<16xi32> to vector<16x1xi32>
      %gather3A_936 = vector.shape_cast %broadcast_in_dim3A_935 : vector<16x1xi32> to vector<16xi32>
      %gather3A_937 = tpu.dynamic_gather %max3A_927[%gather3A_936] in [0] : vector<16xf32>, vector<16xi32> -> vector<16xf32>
      %max3A_938 = arith.maximumf %max3A_927, %gather3A_937 : vector<16xf32>
      %mul3A_939 = arith.mulf %mul3A_894, %max3A_938 : vector<16xf32>
      %add3A_940 = arith.addf %add3A_879, %mul3A_939 : vector<16xf32>
      %ne3A_941 = arith.cmpi ne, %squeeze3A, %squeeze3A_53 : i32
      %select_n3A_942 = arith.select %ne3A_941, %add3A_2, %broadcast_in_dim3A_0 : vector<16xf32>
      %mul3A_943 = arith.mulf %add3A_2, %select_n3A_942 : vector<16xf32>
      %ne3A_944 = arith.cmpi ne, %squeeze3A_43, %squeeze3A_53 : i32
      %select_n3A_945 = arith.select %ne3A_944, %add3A_2, %broadcast_in_dim3A_0 : vector<16xf32>
      %mul3A_946 = arith.mulf %mul3A_943, %select_n3A_945 : vector<16xf32>
      %ne3A_947 = arith.cmpi ne, %squeeze3A_45, %squeeze3A_53 : i32
      %select_n3A_948 = arith.select %ne3A_947, %add3A_2, %broadcast_in_dim3A_0 : vector<16xf32>
      %mul3A_949 = arith.mulf %mul3A_946, %select_n3A_948 : vector<16xf32>
      %ne3A_950 = arith.cmpi ne, %squeeze3A_47, %squeeze3A_53 : i32
      %select_n3A_951 = arith.select %ne3A_950, %add3A_2, %broadcast_in_dim3A_0 : vector<16xf32>
      %mul3A_952 = arith.mulf %mul3A_949, %select_n3A_951 : vector<16xf32>
      %ne3A_953 = arith.cmpi ne, %squeeze3A_49, %squeeze3A_53 : i32
      %select_n3A_954 = arith.select %ne3A_953, %add3A_2, %broadcast_in_dim3A_0 : vector<16xf32>
      %mul3A_955 = arith.mulf %mul3A_952, %select_n3A_954 : vector<16xf32>
      %ne3A_956 = arith.cmpi ne, %squeeze3A_51, %squeeze3A_53 : i32
      %select_n3A_957 = arith.select %ne3A_956, %add3A_2, %broadcast_in_dim3A_0 : vector<16xf32>
      %mul3A_958 = arith.mulf %mul3A_955, %select_n3A_957 : vector<16xf32>
      %lt3A_959 = arith.constant 0 : i32
      %lt3A_960 = vector.broadcast %lt3A_959 : i32 to vector<16xi32>
      %lt3A_961 = arith.cmpi slt, %select_n3A, %lt3A_960 : vector<16xi32>
      %add3A_962 = arith.constant 16 : i32
      %add3A_963 = vector.broadcast %add3A_962 : i32 to vector<16xi32>
      %add3A_964 = arith.addi %select_n3A, %add3A_963 : vector<16xi32>
      %select_n3A_965 = arith.select %lt3A_961, %add3A_964, %select_n3A : vector<16xi1>, vector<16xi32>
      %broadcast_in_dim3A_966 = vector.shape_cast %select_n3A_965 : vector<16xi32> to vector<16x1xi32>
      %gather3A_967 = vector.shape_cast %broadcast_in_dim3A_966 : vector<16x1xi32> to vector<16xi32>
      %gather3A_968 = tpu.dynamic_gather %max3A_616[%gather3A_967] in [0] : vector<16xf32>, vector<16xi32> -> vector<16xf32>
      %max3A_969 = arith.maximumf %max3A_616, %gather3A_968 : vector<16xf32>
      %lt3A_970 = arith.constant 0 : i32
      %lt3A_971 = vector.broadcast %lt3A_970 : i32 to vector<16xi32>
      %lt3A_972 = arith.cmpi slt, %select_n3A_19, %lt3A_971 : vector<16xi32>
      %add3A_973 = arith.constant 16 : i32
      %add3A_974 = vector.broadcast %add3A_973 : i32 to vector<16xi32>
      %add3A_975 = arith.addi %select_n3A_19, %add3A_974 : vector<16xi32>
      %select_n3A_976 = arith.select %lt3A_972, %add3A_975, %select_n3A_19 : vector<16xi1>, vector<16xi32>
      %broadcast_in_dim3A_977 = vector.shape_cast %select_n3A_976 : vector<16xi32> to vector<16x1xi32>
      %gather3A_978 = vector.shape_cast %broadcast_in_dim3A_977 : vector<16x1xi32> to vector<16xi32>
      %gather3A_979 = tpu.dynamic_gather %max3A_969[%gather3A_978] in [0] : vector<16xf32>, vector<16xi32> -> vector<16xf32>
      %max3A_980 = arith.maximumf %max3A_969, %gather3A_979 : vector<16xf32>
      %lt3A_981 = arith.constant 0 : i32
      %lt3A_982 = vector.broadcast %lt3A_981 : i32 to vector<16xi32>
      %lt3A_983 = arith.cmpi slt, %select_n3A_29, %lt3A_982 : vector<16xi32>
      %add3A_984 = arith.constant 16 : i32
      %add3A_985 = vector.broadcast %add3A_984 : i32 to vector<16xi32>
      %add3A_986 = arith.addi %select_n3A_29, %add3A_985 : vector<16xi32>
      %select_n3A_987 = arith.select %lt3A_983, %add3A_986, %select_n3A_29 : vector<16xi1>, vector<16xi32>
      %broadcast_in_dim3A_988 = vector.shape_cast %select_n3A_987 : vector<16xi32> to vector<16x1xi32>
      %gather3A_989 = vector.shape_cast %broadcast_in_dim3A_988 : vector<16x1xi32> to vector<16xi32>
      %gather3A_990 = tpu.dynamic_gather %max3A_980[%gather3A_989] in [0] : vector<16xf32>, vector<16xi32> -> vector<16xf32>
      %max3A_991 = arith.maximumf %max3A_980, %gather3A_990 : vector<16xf32>
      %lt3A_992 = arith.constant 0 : i32
      %lt3A_993 = vector.broadcast %lt3A_992 : i32 to vector<16xi32>
      %lt3A_994 = arith.cmpi slt, %select_n3A_39, %lt3A_993 : vector<16xi32>
      %add3A_995 = arith.constant 16 : i32
      %add3A_996 = vector.broadcast %add3A_995 : i32 to vector<16xi32>
      %add3A_997 = arith.addi %select_n3A_39, %add3A_996 : vector<16xi32>
      %select_n3A_998 = arith.select %lt3A_994, %add3A_997, %select_n3A_39 : vector<16xi1>, vector<16xi32>
      %broadcast_in_dim3A_999 = vector.shape_cast %select_n3A_998 : vector<16xi32> to vector<16x1xi32>
      %gather3A_1000 = vector.shape_cast %broadcast_in_dim3A_999 : vector<16x1xi32> to vector<16xi32>
      %gather3A_1001 = tpu.dynamic_gather %max3A_991[%gather3A_1000] in [0] : vector<16xf32>, vector<16xi32> -> vector<16xf32>
      %max3A_1002 = arith.maximumf %max3A_991, %gather3A_1001 : vector<16xf32>
      %mul3A_1003 = arith.mulf %mul3A_958, %max3A_1002 : vector<16xf32>
      %add3A_1004 = arith.addf %add3A_940, %mul3A_1003 : vector<16xf32>
      %ne3A_1005 = arith.cmpi ne, %squeeze3A, %squeeze3A_55 : i32
      %select_n3A_1006 = arith.select %ne3A_1005, %add3A_2, %broadcast_in_dim3A_0 : vector<16xf32>
      %mul3A_1007 = arith.mulf %add3A_2, %select_n3A_1006 : vector<16xf32>
      %ne3A_1008 = arith.cmpi ne, %squeeze3A_43, %squeeze3A_55 : i32
      %select_n3A_1009 = arith.select %ne3A_1008, %add3A_2, %broadcast_in_dim3A_0 : vector<16xf32>
      %mul3A_1010 = arith.mulf %mul3A_1007, %select_n3A_1009 : vector<16xf32>
      %ne3A_1011 = arith.cmpi ne, %squeeze3A_45, %squeeze3A_55 : i32
      %select_n3A_1012 = arith.select %ne3A_1011, %add3A_2, %broadcast_in_dim3A_0 : vector<16xf32>
      %mul3A_1013 = arith.mulf %mul3A_1010, %select_n3A_1012 : vector<16xf32>
      %ne3A_1014 = arith.cmpi ne, %squeeze3A_47, %squeeze3A_55 : i32
      %select_n3A_1015 = arith.select %ne3A_1014, %add3A_2, %broadcast_in_dim3A_0 : vector<16xf32>
      %mul3A_1016 = arith.mulf %mul3A_1013, %select_n3A_1015 : vector<16xf32>
      %ne3A_1017 = arith.cmpi ne, %squeeze3A_49, %squeeze3A_55 : i32
      %select_n3A_1018 = arith.select %ne3A_1017, %add3A_2, %broadcast_in_dim3A_0 : vector<16xf32>
      %mul3A_1019 = arith.mulf %mul3A_1016, %select_n3A_1018 : vector<16xf32>
      %ne3A_1020 = arith.cmpi ne, %squeeze3A_51, %squeeze3A_55 : i32
      %select_n3A_1021 = arith.select %ne3A_1020, %add3A_2, %broadcast_in_dim3A_0 : vector<16xf32>
      %mul3A_1022 = arith.mulf %mul3A_1019, %select_n3A_1021 : vector<16xf32>
      %ne3A_1023 = arith.cmpi ne, %squeeze3A_53, %squeeze3A_55 : i32
      %select_n3A_1024 = arith.select %ne3A_1023, %add3A_2, %broadcast_in_dim3A_0 : vector<16xf32>
      %mul3A_1025 = arith.mulf %mul3A_1022, %select_n3A_1024 : vector<16xf32>
      %lt3A_1026 = arith.constant 0 : i32
      %lt3A_1027 = vector.broadcast %lt3A_1026 : i32 to vector<16xi32>
      %lt3A_1028 = arith.cmpi slt, %select_n3A, %lt3A_1027 : vector<16xi32>
      %add3A_1029 = arith.constant 16 : i32
      %add3A_1030 = vector.broadcast %add3A_1029 : i32 to vector<16xi32>
      %add3A_1031 = arith.addi %select_n3A, %add3A_1030 : vector<16xi32>
      %select_n3A_1032 = arith.select %lt3A_1028, %add3A_1031, %select_n3A : vector<16xi1>, vector<16xi32>
      %broadcast_in_dim3A_1033 = vector.shape_cast %select_n3A_1032 : vector<16xi32> to vector<16x1xi32>
      %gather3A_1034 = vector.shape_cast %broadcast_in_dim3A_1033 : vector<16x1xi32> to vector<16xi32>
      %gather3A_1035 = tpu.dynamic_gather %max3A_620[%gather3A_1034] in [0] : vector<16xf32>, vector<16xi32> -> vector<16xf32>
      %max3A_1036 = arith.maximumf %max3A_620, %gather3A_1035 : vector<16xf32>
      %lt3A_1037 = arith.constant 0 : i32
      %lt3A_1038 = vector.broadcast %lt3A_1037 : i32 to vector<16xi32>
      %lt3A_1039 = arith.cmpi slt, %select_n3A_19, %lt3A_1038 : vector<16xi32>
      %add3A_1040 = arith.constant 16 : i32
      %add3A_1041 = vector.broadcast %add3A_1040 : i32 to vector<16xi32>
      %add3A_1042 = arith.addi %select_n3A_19, %add3A_1041 : vector<16xi32>
      %select_n3A_1043 = arith.select %lt3A_1039, %add3A_1042, %select_n3A_19 : vector<16xi1>, vector<16xi32>
      %broadcast_in_dim3A_1044 = vector.shape_cast %select_n3A_1043 : vector<16xi32> to vector<16x1xi32>
      %gather3A_1045 = vector.shape_cast %broadcast_in_dim3A_1044 : vector<16x1xi32> to vector<16xi32>
      %gather3A_1046 = tpu.dynamic_gather %max3A_1036[%gather3A_1045] in [0] : vector<16xf32>, vector<16xi32> -> vector<16xf32>
      %max3A_1047 = arith.maximumf %max3A_1036, %gather3A_1046 : vector<16xf32>
      %lt3A_1048 = arith.constant 0 : i32
      %lt3A_1049 = vector.broadcast %lt3A_1048 : i32 to vector<16xi32>
      %lt3A_1050 = arith.cmpi slt, %select_n3A_29, %lt3A_1049 : vector<16xi32>
      %add3A_1051 = arith.constant 16 : i32
      %add3A_1052 = vector.broadcast %add3A_1051 : i32 to vector<16xi32>
      %add3A_1053 = arith.addi %select_n3A_29, %add3A_1052 : vector<16xi32>
      %select_n3A_1054 = arith.select %lt3A_1050, %add3A_1053, %select_n3A_29 : vector<16xi1>, vector<16xi32>
      %broadcast_in_dim3A_1055 = vector.shape_cast %select_n3A_1054 : vector<16xi32> to vector<16x1xi32>
      %gather3A_1056 = vector.shape_cast %broadcast_in_dim3A_1055 : vector<16x1xi32> to vector<16xi32>
      %gather3A_1057 = tpu.dynamic_gather %max3A_1047[%gather3A_1056] in [0] : vector<16xf32>, vector<16xi32> -> vector<16xf32>
      %max3A_1058 = arith.maximumf %max3A_1047, %gather3A_1057 : vector<16xf32>
      %lt3A_1059 = arith.constant 0 : i32
      %lt3A_1060 = vector.broadcast %lt3A_1059 : i32 to vector<16xi32>
      %lt3A_1061 = arith.cmpi slt, %select_n3A_39, %lt3A_1060 : vector<16xi32>
      %add3A_1062 = arith.constant 16 : i32
      %add3A_1063 = vector.broadcast %add3A_1062 : i32 to vector<16xi32>
      %add3A_1064 = arith.addi %select_n3A_39, %add3A_1063 : vector<16xi32>
      %select_n3A_1065 = arith.select %lt3A_1061, %add3A_1064, %select_n3A_39 : vector<16xi1>, vector<16xi32>
      %broadcast_in_dim3A_1066 = vector.shape_cast %select_n3A_1065 : vector<16xi32> to vector<16x1xi32>
      %gather3A_1067 = vector.shape_cast %broadcast_in_dim3A_1066 : vector<16x1xi32> to vector<16xi32>
      %gather3A_1068 = tpu.dynamic_gather %max3A_1058[%gather3A_1067] in [0] : vector<16xf32>, vector<16xi32> -> vector<16xf32>
      %max3A_1069 = arith.maximumf %max3A_1058, %gather3A_1068 : vector<16xf32>
      %mul3A_1070 = arith.mulf %mul3A_1025, %max3A_1069 : vector<16xf32>
      %add3A_1071 = arith.addf %add3A_1004, %mul3A_1070 : vector<16xf32>
      %div3A_1072 = arith.constant 2.621440e+05 : f32
      %div3A_1073 = vector.broadcast %div3A_1072 : f32 to vector<16xf32>
      %div3A_1074 = arith.divf %add3A_1071, %div3A_1073 : vector<16xf32>
      %sub3A_1075 = arith.constant 1.000000e+00 : f32
      %sub3A_1076 = vector.broadcast %sub3A_1075 : f32 to vector<16xf32>
      %sub3A_1077 = arith.subf %sub3A_1076, %div3A_1074 : vector<16xf32>
      %swap3A_1078 = arith.constant 0 : index
      %swap3A_1079 = tpu.vector_load %arg10[%swap3A_1078] {strides = array<i32>} : memref<16xf32, #tpu.memory_space<vmem>>, vector<16xf32>,
      %swap3A_1080 = vector.shape_cast %swap3A_1079 : vector<16xf32> to vector<16xf32>
      %swap3A_1081 = vector.shape_cast %sub3A_1077 : vector<16xf32> to vector<16xf32>
      tpu.vector_store %arg10[%swap3A_1078], %swap3A_1081 {strides = array<i32>} : memref<16xf32, #tpu.memory_space<vmem>>, vector<16xf32>,
      "tpu.region"() ({
        %run_scoped3A = tpu.sem_alloc : memref<!tpu.dma_semaphore, #tpu.memory_space<semaphore_mem>>
        tpu.enqueue_dma source(%arg10 : memref<16xf32, #tpu.memory_space<vmem>>) target(%arg4 : memref<16xf32, #tpu.memory_space<hbm>>) target_semaphore(%run_scoped3A : memref<!tpu.dma_semaphore, #tpu.memory_space<semaphore_mem>>)
        tpu.wait_dma2 semaphore(%run_scoped3A : memref<!tpu.dma_semaphore, #tpu.memory_space<semaphore_mem>>) src(%arg10 : memref<16xf32, #tpu.memory_space<vmem>>) dst(%arg4 : memref<16xf32, #tpu.memory_space<hbm>>)
        tpu.yield
      }) : () -> ()
    } else {
    }
    return
  }
}

</mosaic_0001>

<sc_bundles>
// kernel: _run.3.cloned.1.call-start
scs
__scs_entry_jumppad:
0x0: {  	(pc) =	sbr.rel $0x88, $3  }
0x1: {  	(tag) =	ssettag $0x0;
	lr =	simm.s32 $0x1  }
0x2: {  	[smem:$0x3F9F] =	sst lr;
	_ =	strace $0xD0000000  }
0x3: {  	_ = 	snop  }
0x4: {  	_ = 	snop  }
0x5: {  	_ = 	snop  }
0x6: {  	_ = 	snop  }
0x7: {  	_ = 	snop  }
__scs_overlays_trampoline_lowered:
0x8: {  	[smem:$0x3FAE] =	sst s0  }
0x9: {  	[smem:$0x3FAF] =	sst s1  }
0xa: {  	[smem:$0x3FB0] =	sst s2  }
0xb: {  	[smem:$0x3FB1] =	sst s3  }
0xc: {  	[smem:$0x3FB2] =	sst s4  }
0xd: {  	[smem:$0x3FB3] =	sst s5  }
0xe: {  	[smem:$0x3FB4] =	sst s6  }
0xf: {  	[smem:$0x3FB5] =	sst s7  }
0x10: {  	[smem:$0x3FB6] =	sst s8  }
0x11: {  	[smem:$0x3FB7] =	sst s9;
	s0 =	simm.s32 @!p0 $0x0  }
0x12: {  	s1 =	sld [smem:$0x3F9D];
	s0 =	simm.s32 @p0 $0x1  }
0x13: {  	[smem:$0x3FB8] =	sst s0;
	s0 =	simm.s32 @!p1 $0x0  }
0x14: {  	s2 =	sld [smem:$0x3F9C];
	s0 =	simm.s32 @p1 $0x1  }
0x15: {  	[smem:$0x3FB9] =	sst s0;
	s0 =	simm.s32 @!p2 $0x0  }
0x16: {  	s3 =	sld [smem:$0x3FDB];
	s0 =	simm.s32 @p2 $0x1  }
0x17: {  	s4 =	simm.s32 $0x1BF5;
	[smem:$0x3FBB] =	sst s0  }
0x18: {  	s0 =	sld [smem:$0x3F9E];
	_ =	swait.ge [sflag:s4], $0x0  }
0x19: {  	s7 =	sld [smem:$0x3F9F]  }
0x1a: {  	s8 =	sadd.s32 $0xFFFFE003, lr  }
0x1b: {  	s9 =	sadd.s32 $0xFFFFFEF7, lr;
	s5 =	simm.s32 $0xFFFFFFFF;
	p2 =	slt.u32 s8, $0xFFFFF086  }
0x1c: {  	p1 =	slt.u32 s9, $0xF7A;
	s5 =	simm.s32 @!p2 $0x0  }
0x1d: {  	s5 =	simm.s32 @p1 $0x1;
	p0 =	seq.s32 s7, s2  }
0x1e: {  	s7 =	smul.u32 @!p0 $0xF7A, s2;
	p2 =	seq.s32 @!p0 s5, $0x0  }
0x1f: {  	s9 =	smul.u32 $0xF7A, s1;
	s8 =	simm.s32 @!p0 $0x1BF5;
	p2 =	por !p2, p0  }
0x20: {  	[sflag:s8] =	ssyncset.s32 @!p0 $0xFFFFF086;
	s6 =	sadd.s32 @!p0 s3, s7;
	s7 =	simm.s32 @!p0 $0x108  }
0x21: {  	s3 =	sadd.s32 s3, s9;
	s6 =	sadd.s32 @!p0 $0x88, s6;
	s7 =	simm.s32 @p2 $0x1082  }
0x22: {  	[simem:s7], [sflag:s8] =	dma.local @!p0 [hbm:s6], $0xF7A  }
0x23: {  	s9 =	sor.u32 $0xD0000000, s2;
	s6 =	simm.s32 $0x108;
	_ =	swait.ge @!p0 [sflag:s8], $0x0  }
0x24: {  	s3 =	sadd.s32 $0x88, s3;
	s6 =	simm.s32 @!p1 $0x1082;
	[sflag:s4] =	ssyncset.s32 $0xFFFFF086  }
0x25: {  	[simem:s6], [sflag:s4] =	dma.local [hbm:s3], $0xF7A  }
0x26: {  	[smem:$0x3F9F] =	sst s1;
	(tag) =	ssettag s2;
	_ =	strace s9  }
0x27: {  	s1 =	sld [smem:$0x3FAF]  }
0x28: {  	s2 =	sld [smem:$0x3FB0]  }
0x29: {  	s4 =	sld [smem:$0x3FB2]  }
0x2a: {  	p0 =	seq.s32 s5, $0x0;
	s5 =	sld [smem:$0x3FB3]  }
0x2b: {  	s6 =	sld [smem:$0x3FB4]  }
0x2c: {  	s7 =	sld [smem:$0x3FB5]  }
0x2d: {  	s3 =	simm.s32 $0x108;
	s8 =	sld [smem:$0x3FB6]  }
0x2e: {  	s3 =	simm.s32 @!p0 $0x1082;
	s9 =	sld [smem:$0x3FB7]  }
0x2f: {  	lr =	sadd.s32 s0, s3;
	s0 =	sld [smem:$0x3FAE]  }
0x30: {  	s3 =	sld [smem:$0x3FB1]  }
0x31: {  	[smem:$0x3FBA] =	sst s10  }
0x32: {  	s10 =	sld [smem:$0x3FB8];
	_ =	sdelay $0x3  }
0x33: {  	p0 =	seq.s32 s10, $0x1;
	s10 =	sld [smem:$0x3FBA];
	_ =	sdelay $0x3  }
0x34: {  	[smem:$0x3FBA] =	sst s10  }
0x35: {  	s10 =	sld [smem:$0x3FB9];
	_ =	sdelay $0x3  }
0x36: {  	p1 =	seq.s32 s10, $0x1;
	s10 =	sld [smem:$0x3FBA];
	_ =	sdelay $0x3  }
0x37: {  	[smem:$0x3FBA] =	sst s10  }
0x38: {  	s10 =	sld [smem:$0x3FBB]  }
0x39: {  	_ = 	snop;
	(pc) =	sbr.ind lr, $3  }
0x3a: {  	_ = 	snop  }
0x3b: {  	_ = 	snop  }
0x3c: {  	p2 =	seq.s32 s10, $0x1;
	s10 =	sld [smem:$0x3FBA]  }
0x3d: {  	_ =	shalt  }
0x3e: {  	_ =	shalt  }
0x3f: {  	_ =	shalt  }
0x40: {  	_ =	shalt  }
0x41: {  	_ =	shalt  }
0x42: {  	_ =	shalt  }
0x43: {  	_ =	shalt  }
0x44: {  	_ =	shalt  }
0x45: {  	_ =	shalt  }
0x46: {  	_ =	shalt  }
0x47: {  	_ =	shalt  }
0x48: {  	_ =	shalt  }
0x49: {  	_ =	shalt  }
0x4a: {  	_ =	shalt  }
0x4b: {  	_ =	shalt  }
0x4c: {  	_ =	shalt  }
0x4d: {  	_ =	shalt  }
0x4e: {  	_ =	shalt  }
0x4f: {  	_ =	shalt  }
0x50: {  	_ =	shalt  }
0x51: {  	_ =	shalt  }
0x52: {  	_ =	shalt  }
0x53: {  	_ =	shalt  }
0x54: {  	_ =	shalt  }
0x55: {  	_ =	shalt  }
0x56: {  	_ =	shalt  }
0x57: {  	_ =	shalt  }
0x58: {  	_ =	shalt  }
0x59: {  	_ =	shalt  }
0x5a: {  	_ =	shalt  }
0x5b: {  	_ =	shalt  }
0x5c: {  	_ =	shalt  }
0x5d: {  	_ =	shalt  }
0x5e: {  	_ =	shalt  }
0x5f: {  	_ =	shalt  }
0x60: {  	_ =	shalt  }
0x61: {  	_ =	shalt  }
0x62: {  	_ =	shalt  }
0x63: {  	_ =	shalt  }
0x64: {  	_ =	shalt  }
0x65: {  	_ =	shalt  }
0x66: {  	_ =	shalt  }
0x67: {  	_ =	shalt  }
0x68: {  	_ =	shalt  }
0x69: {  	_ =	shalt  }
0x6a: {  	_ =	shalt  }
0x6b: {  	_ =	shalt  }
0x6c: {  	_ =	shalt  }
0x6d: {  	_ =	shalt  }
0x6e: {  	_ =	shalt  }
0x6f: {  	_ =	shalt  }
0x70: {  	_ =	shalt  }
0x71: {  	_ =	shalt  }
0x72: {  	_ =	shalt  }
0x73: {  	_ =	shalt  }
0x74: {  	_ =	shalt  }
0x75: {  	_ =	shalt  }
0x76: {  	_ =	shalt  }
0x77: {  	_ =	shalt  }
0x78: {  	_ =	shalt  }
0x79: {  	_ =	shalt  }
0x7a: {  	_ =	shalt  }
0x7b: {  	_ =	shalt  }
0x7c: {  	_ =	shalt  }
0x7d: {  	_ =	shalt  }
0x7e: {  	_ =	shalt  }
0x7f: {  	_ =	shalt  }
0x80: {  	_ =	shalt  }
0x81: {  	_ =	shalt  }
0x82: {  	_ =	shalt  }
0x83: {  	_ =	shalt  }
0x84: {  	_ =	shalt  }
0x85: {  	_ =	shalt  }
0x86: {  	_ =	shalt  }
0x87: {  	_ =	shalt  }
.Lfunc_end0:
.L_simem_size_0:
called_computation_lowered:
.L_overlay_start_0:
0x88: {  	s0 =	sld [smem:$0x3FD9]  }
0x89: {  	s1 =	sld [smem:$0x3FFE];
	_ =	sdelay $0x3  }
0x8a: {  	s0 =	sadd.s32 s1, s0  }
0x8b: {  	[smem:$0x3FC6] =	sst s0  }
0x8c: {  	_ = 	snop  }
0x8d: {  	s0 =	sld [smem:$0x3FC9]  }
0x8e: {  	s17 =	sld [smem:$0x3FC8]  }
0x8f: {  	s2 =	sld [smem:$0x3FD0];
	(tm) =	ssettm $0x1  }
0x90: {  	s3 =	sld [smem:$0x3FFB];
	_ =	sdelay $0x3  }
0x91: {  	_ =	strace s3  }
0x92: {  	s3 =	sld [smem:$0x3FFC];
	_ =	sdelay $0x3  }
0x93: {  	_ =	strace s3  }
0x94: {  	s3 =	sld [smem:$0x3FFD];
	_ =	sdelay $0x3  }
0x95: {  	_ =	strace s3  }
0x96: {  	_ =	strace $0x8FFFFFFF  }
0x97: {  	s18 =	sld [smem:$0x3FDB];
	_ =	sdelay $0x1  }
0x98: {  	s4 =	simm.s32 $_scs_section_size  }
0x99: {  	s5 =	simm.s32 $_size__tile_overlayer_lowered;
	s6 =	simm.s32 $_tile_overlayer_lowered  }
0x9a: {  	s21 =	simm.s32 $0x1BFF;
	s20 =	sshll.u32 s6, $0x1;
	s3 =	sadd.s32 s4, s18  }
0x9b: {  	s7 =	simm.s32 $0x0;
	s19 =	sshll.u32 s5, $0x1;
	s5 =	sadd.s32 s20, s3  }
0x9c: {  	[timem:s7], [sflag:s21] =	dma.local [hbm:s5], s19  }
0x9d: {  	_ =	swait.ge [sflag:s21], s19  }
0x9e: {  	s4 =	ssub.s32 $0x0, s19;
	[sflag:s21] =	ssyncset.done $0x0  }
0x9f: {  	[sflag:s21] =	ssyncadd.s32 s4;
	_ =	sdelay $0x1  }
0xa0: {  	s22 =	simm.s32 $0x1B8B  }
0xa1: {  	_ =	swait.ge [sflag:s22], $0x1  }
0xa2: {  	[sflag:s22] =	ssyncset.done $0x0  }
0xa3: {  	s23 =	simm.s32 $0x1B8E;
	[sflag:s22] =	ssyncadd.s32 $0xFFFFFFFF  }
0xa4: {  	s24 =	simm.s32 $execute0_lowered;
	[smem:$0x3FD2] =	sst s23  }
0xa5: {  	s4 =	sshll.u32 s24, $0x1;
	_ =	strace $0x80000046;
	[dreg:$0x1] =	wrdreg $0xFFFFFFFF  }
0xa6: {  	s25 =	simm.s32 $_size_execute0_lowered;
	s3 =	sadd.s32 s3, s4;
	[dreg:$0x0] =	wrdreg $0x0  }
0xa7: {  	s4 =	sshll.u32 s25, $0x1;
	[dreg:$0x2] =	wrdreg s3  }
0xa8: {  	[dreg:$0x3] =	wrdreg s4  }
0xa9: {  	[dreg:$0x4] =	wrdreg $0xC0  }
0xaa: {  	_ =	task [dreg:s7], $0x5FFFF  }
0xab: {  	[dreg:$0x1] =	wrdreg $0xFFFFFFFF  }
0xac: {  	[dreg:$0x0] =	wrdreg $0x60  }
0xad: {  	[dreg:$0x2] =	wrdreg s0  }
0xae: {  	[dreg:$0x3] =	wrdreg s17  }
0xaf: {  	[dreg:$0x4] =	wrdreg s2  }
0xb0: {  	[dreg:$0x5] =	wrdreg $0x2A000  }
0xb1: {  	[dreg:$0x6] =	wrdreg $0x9  }
0xb2: {  	_ =	task.clear_ibuf [dreg:s7], $0x7FFFF;
	_ =	strace $0x90000046  }
0xb3: {  	s26 =	simm.s32 $0x9;
	_ =	strace $0x80000048  }
0xb4: {  	_ =	swait.ge [sflag:s26], $0x1  }
0xb5: {  	[sflag:s26] =	ssyncadd.s32 $0xFFFFFFFF  }
0xb6: {  	_ =	strace $0x90000048  }
0xb7: {  	_ =	sfence  }
0xb8: {  	s28 =	sld [smem:$0x0];
	_ =	sdelay $0x1  }
0xb9: {  	s29 =	srdreg.scid  }
0xba: {  	s30 =	sshll.u32 s29, $0xD;
	s31 =	sshrl.u32 s29, $0x2  }
0xbb: {  	s1 =	sand.u32 $0x1, s29;
	s2 =	sand.u32 $0x4000, s30;
	s0 =	sadd.s32 s31, s28  }
0xbc: {  	s1 =	sor.u32 s2, s1;
	s0 =	sshll.u32 s0, $0x11  }
0xbd: {  	s0 =	sor.u32 s0, s1  }
0xbe: {  	s0 =	sadd.s32 $0x8F2B, s0  }
0xbf: {  	[sflag:s0] =	ssyncadd.remote.s32 $0x1  }
0xc0: {  	_ =	sfence.sel $0xFFFF  }
0xc1: {  	[dreg:$0x0] =	wrdreg $0xFFFFFFFF;
	(pc) =	sbr.abs _section_cstart, $3  }
0xc2: {  	[dreg:$0x1] =	wrdreg $0xFFFFFFFF  }
0xc3: {  	_ =	task.clear_ibuf [dreg:s7], $0x2FFFF;
	_ =	strace $0x9FFFFFFF  }
0xc4: {  	(tm) =	ssettm $0x7FFFFFFF  }
0xc5: {  	_ =	shalt  }
tec
execute0_lowered:
.L_overlay_start_1:
0x0: {  	(tag) =	ssettag $0x1  }
0x1: {  	s15 =	rddreg [dreg:$0x0]  }
0x2: {  	s2 =	rddreg [dreg:$0x1]  }
0x3: {  	s1 =	rddreg [dreg:$0x2]  }
0x4: {  	s10 =	rddreg [dreg:$0x3]  }
0x5: {  	s0 =	rddreg [dreg:$0x4];
	s11 =	simm.s32 $0x0  }
0x6: {  	[smem:$0x7FF] =	sst s11  }
0x7: {  	s3 =	simm.s32 $0x2000;
	s12 =	simm.s32 $0x1;
	_ =	strace $0x80000047  }
0x8: {  	[tilespmem:s3], [sflag:$0x1] =	stream.linear.gather [hbm4b:s2+s11], $0x8, $0x38;
	[tilespmem:$0x2A80] =	vst v63  }
0x9: {  	_ =	swait.ge [sflag:s12], $0x8  }
0xa: {  	[sflag:s12] =	ssyncset.done $0x0  }
0xb: {  	[sflag:s12] =	ssyncadd.s32 $0xFFFFFFF8  }
0xc: {  	v0 =	vld [tilespmem:$0x2000];
	_ =	sdelay $0x4  }
0xd: {  	(v2sf) =	vpush v0, $0x0  }
0xe: {  	(v2sf) =	vpush v0, $0x1  }
0xf: {  	(v2sf) =	vpush v0, $0x2  }
0x10: {  	(v2sf) =	vpush v0, $0x3  }
0x11: {  	(v2sf) =	vpush v0, $0x4  }
0x12: {  	(v2sf) =	vpush v0, $0x5  }
0x13: {  	(v2sf) =	vpush v0, $0x6  }
0x14: {  	(v2sf) =	vpush v0, $0x7;
	_ =	sdelay $0x4  }
0x15: {  	v2 =	vimm.s32 $0x76543210;
	v3 =	vimm.s32 $0x3210FEDC;
	v4 =	vimm.s32 $0xBA987654  }
0x16: {  	v5 =	vimm.s32 $0x10FEDCBA;
	v6 =	vimm.s32 $0x98765432;
	v7 =	vimm.s32 $0xFEDCBA9  }
0x17: {  	v8 =	vimm.s32 $0x87654321;
	s13 =	stileid.u32;
	v2 =	vunpack.c.l.s4.s8 v2;
	v3 =	vunpack.c.l.s4.s8 v3  }
0x18: {  	v4 =	vunpack.c.l.s4.s8 v4;
	v5 =	vunpack.c.l.s4.s8 v5;
	s7 =	sshll.u32 s13, $0xE;
	v0 =	vimm.s32 $0xFEDCBA98;
	s2 =	spop (v2sf)  }
0x19: {  	v6 =	vunpack.c.l.s4.s8 v6;
	s14 =	sshll.u32 s13, $0x4;
	s16 =	sand.u32 $0x30000, s7;
	v1 =	vunpack.c.l.s4.s8 v0;
	v0 =	vimm.f32 $0.0e+00;
	s3 =	spop (v2sf)  }
0x1a: {  	v7 =	vunpack.c.l.s4.s8 v7;
	v8 =	vunpack.c.l.s4.s8 v8;
	s14 =	sand.u32 $0x30, s14;
	v3 =	vunpack.c.0.s8.s32 v3;
	[tilespmem:$0x2080] =	vst v0;
	s17 =	sshll.u32 s2, $0x9;
	s4 =	spop (v2sf)  }
0x1b: {  	v4 =	vunpack.c.0.s8.s32 v4;
	v5 =	vunpack.c.0.s8.s32 v5;
	v6 =	vunpack.c.0.s8.s32 v6;
	[tilespmem:$0x2090] =	vst v0;
	s18 =	sshll.u32 s3, $0x9;
	s17 =	sshra.s32 s17, $0x2;
	s5 =	spop (v2sf)  }
0x1c: {  	v7 =	vunpack.c.0.s8.s32 v7;
	v8 =	vunpack.c.0.s8.s32 v8;
	[tilespmem:$0x20A0] =	vst v0;
	v1 =	vunpack.c.0.s8.s32 v1;
	s18 =	sshra.s32 s18, $0x2;
	s19 =	sshll.u32 s4, $0x9;
	s6 =	spop (v2sf)  }
0x1d: {  	v2 =	vunpack.c.0.s8.s32 v2;
	v3 =	vcombine.low v4, v3;
	v4 =	vcombine.low v6, v5;
	[tilespmem:$0x20B0] =	vst v0;
	s19 =	sshra.s32 s19, $0x2;
	s20 =	sshll.u32 s5, $0x9;
	s9 =	spop (v2sf)  }
.Ltmp0:
0x1e: {  	v13 =	vimm.f32 $0.0e+00;
	v5 =	vcombine.low v8, v7;
	[tilespmem:$0x20C0] =	vst v0;
	v1 =	vand.u32 $0xF, v1;
	s21 =	sshll.u32 s6, $0x9;
	s8 =	spop (v2sf);
	(pc) =	sbr.rel .LBB2_1-.Ltmp0, $4  }
0x1f: {  	[tilespmem:$0x20D0] =	vst v0;
	v1 =	vcombine.low v1, v2;
	v2 =	vand.u32 $0xF, v3;
	v3 =	vand.u32 $0xF, v4;
	s20 =	sshra.s32 s20, $0x2;
	s21 =	sshra.s32 s21, $0x2;
	s7 =	spop (v2sf)  }
0x20: {  	[tilespmem:$0x20E0] =	vst v0;
	v4 =	vand.u32 $0xF, v5;
	v5 =	vmov s17;
	v6 =	vmov s18;
	s22 =	sshll.u32 s9, $0x9;
	s23 =	sshll.u32 s8, $0x9;
	s24 =	sshll.u32 s7, $0x9  }
0x21: {  	[tilespmem:$0x20F0] =	vst v0;
	v7 =	vmov s19;
	v8 =	vmov s20;
	s22 =	sshra.s32 s22, $0x2;
	v9 =	vmov s21;
	s30 =	sshra.s32 s23, $0x2;
	s31 =	sshra.s32 s24, $0x2  }
0x22: {  	s15 =	sadd.s32 s15, s16;
	s16 =	simm.s32 $0x400;
	[tilespmem:$0x2100] =	vst v0;
	s17 =	simm.s32 $0x10000;
	v10 =	vmov s22;
	v11 =	vmov s30;
	v12 =	vmov s31  }
.LBB2_8:
0x23: {  	s11 =	sadd.s32 $0x1, s11  }
0x24: {  	p0 =	sne.s32 s11, $0x10  }
.Ltmp1:
0x25: {  	_ = 	snop;
	(pc) =	sbr.rel @!p0 .LBB2_9-.Ltmp1, $1  }
0x26: {  	_ =	sdelay $0x3  }
.LBB2_1:
0x27: {  	(v2sf) =	vpush v13, $0x0;
	_ =	sdelay $0xe  }
0x28: {  	s18 =	spop (v2sf)  }
0x29: {  	p0 =	sne.f32 s18, $0.0e+00  }
.Ltmp2:
0x2a: {  	_ = 	snop;
	(pc) =	sbr.rel @p0 .LBB2_8-.Ltmp2, $1  }
0x2b: {  	_ =	sdelay $0x3  }
0x2c: {  	s18 =	sadd.s32 s14, s11  }
0x2d: {  	s18 =	sshll.u32 s18, $0x7  }
.Ltmp3:
0x2e: {  	s19 =	sadd.s32 s18, s15;
	s18 =	simm.s32 $0x0;
	(pc) =	sbr.rel .LBB2_3-.Ltmp3, $4  }
0x2f: {  	[tilespmem:s18], [sflag:$0x1] =	stream.strided.gather [hbm4b:s19+s16], $0x2000, s17, s16, $0x38;
	[tilespmem:$0x2A80] =	vst v63  }
0x30: {  	_ =	swait.ge [sflag:s12], $0x2000  }
0x31: {  	[sflag:s12] =	ssyncset.done $0x0  }
0x32: {  	s19 =	simm.s32 $0x0;
	[sflag:s12] =	ssyncadd.s32 $0xFFFFE000  }
.LBB2_7:
0x33: {  	s19 =	sadd.s32 $0x1, s19  }
0x34: {  	p0 =	sne.s32 s19, $0x8  }
.Ltmp4:
0x35: {  	_ = 	snop;
	(pc) =	sbr.rel @!p0 .LBB2_8-.Ltmp4, $2  }
0x36: {  	_ =	sdelay $0x2  }
0x37: {  	s18 =	sadd.s32 $0x10, s18  }
.LBB2_3:
0x38: {  	v13 =	vld [tilespmem:$0x2100];
	_ =	sdelay $0x4  }
0x39: {  	(v2sf) =	vpush v13, $0x0;
	_ =	sdelay $0xe  }
0x3a: {  	s20 =	spop (v2sf)  }
0x3b: {  	p0 =	sne.f32 s20, $0.0e+00  }
.Ltmp5:
0x3c: {  	_ = 	snop;
	(pc) =	sbr.rel @p0 .LBB2_7-.Ltmp5, $1  }
0x3d: {  	_ =	sdelay $0x3  }
0x3e: {  	_ =	sdelay $0x2  }
0x3f: {  	s20 =	sshll.u32 s19, $0x4;
	v24 =	vld [tilespmem:s18+$0x0]  }
0x40: {  	v13 =	vld.idx.msk [tilespmem:v5+s20+$0x0 ss:$0x1], $0xffff  }
0x41: {  	p1 =	sgt.s32 s2, $0x0;
	p2 =	sgt.s32 s3, $0x0;
	v14 =	vld.idx.msk [tilespmem:v6+s20+$0x0 ss:$0x1], $0xffff  }
0x42: {  	p3 =	sgt.s32 s4, $0x0;
	p4 =	sgt.s32 s5, $0x0;
	p0 =	sgt.s32 s6, $0x0;
	v15 =	vld.idx.msk [tilespmem:v7+s20+$0x0 ss:$0x1], $0xffff  }
0x43: {  	s21 =	simm.f32 $1.000000000e+00;
	s22 =	simm.f32 $1.000000000e+00;
	s23 =	simm.f32 $1.000000000e+00;
	v16 =	vld.idx.msk [tilespmem:v8+s20+$0x0 ss:$0x1], $0xffff  }
0x44: {  	s24 =	simm.f32 $1.000000000e+00;
	s25 =	simm.f32 $1.000000000e+00;
	s26 =	simm.f32 $1.000000000e+00;
	v18 =	vld.idx.msk [tilespmem:v9+s20+$0x0 ss:$0x1], $0xffff  }
0x45: {  	s21 =	simm.s32 @!p1 $0x0;
	s22 =	simm.s32 @!p2 $0x0;
	p1 =	sgt.s32 s9, $0x0;
	v19 =	vld.idx.msk [tilespmem:v10+s20+$0x0 ss:$0x1], $0xffff  }
0x46: {  	s23 =	simm.s32 @!p3 $0x0;
	s24 =	simm.s32 @!p4 $0x0;
	v20 =	vld.idx.msk [tilespmem:v11+s20+$0x0 ss:$0x1], $0xffff;
	p2 =	sgt.s32 s8, $0x0  }
0x47: {  	v22 =	vimm.f32 $0.0e+00;
	s25 =	simm.s32 @!p0 $0x0;
	v21 =	vld.idx.msk [tilespmem:v12+s20+$0x0 ss:$0x1], $0xffff;
	p0 =	sgt.s32 s7, $0x0;
	s20 =	simm.f32 $1.000000000e+00;
	v25 =	vmov s21  }
0x48: {  	v26 =	vmov s22;
	s26 =	simm.s32 @!p1 $0x0;
	v27 =	vmov s23;
	v28 =	vmov s24;
	s21 =	simm.f32 $1.000000000e+00;
	s20 =	simm.s32 @!p2 $0x0  }
0x49: {  	v29 =	vmov s25;
	v30 =	vmov s26;
	s21 =	simm.s32 @!p0 $0x0;
	v23 =	vmov s20  }
0x4a: {  	v17 =	vmov s21;
	vm10 =	veq.f32 v24, v13;
	vm11 =	veq.f32 v24, v14  }
0x4b: {  	vm12 =	veq.f32 v24, v15;
	vm13 =	veq.f32 v24, v16;
	vm14 =	veq.f32 v24, v18  }
0x4c: {  	vm15 =	veq.f32 v24, v19;
	vm1 =	veq.f32 v24, v20;
	vm7 =	vgt.f32 v24, v13  }
0x4d: {  	vm8 =	vgt.f32 v24, v14;
	vm0 =	veq.f32 v24, v21;
	vm9 =	vgt.f32 v24, v15  }
0x4e: {  	vm6 =	vgt.f32 v24, v16;
	vm5 =	vgt.f32 v24, v18;
	vm4 =	vgt.f32 v24, v19  }
0x4f: {  	vm3 =	vgt.f32 v24, v20;
	vm2 =	vgt.f32 v24, v21;
	v24 =	vimm.f32 $0.0e+00  }
0x50: {  	v36 =	vnsel vm10, $0x0, v25;
	v35 =	vnsel vm11, $0x0, v26;
	v33 =	vnsel vm12, $0x0, v27  }
0x51: {  	v34 =	vnsel vm13, $0x0, v28;
	v32 =	vnsel vm14, $0x0, v29;
	v31 =	vnsel vm15, $0x0, v30  }
0x52: {  	v30 =	vimm.f32 $0.0e+00;
	v28 =	vimm.f32 $0.0e+00;
	v26 =	vimm.f32 $0.0e+00  }
0x53: {  	s20 =	simm.s32 $0x1;
	s21 =	smov.u32 s18;
	v29 =	vimm.f32 $0.0e+00;
	v27 =	vimm.f32 $0.0e+00;
	v25 =	vimm.f32 $0.0e+00  }
.LBB2_5:
0x54: {  	v37 =	vsel vm7, $0x3F800000, v0;
	v38 =	vsel vm8, $0x3F800000, v0  }
0x55: {  	p0 =	sne.s32 s20, $0x3F;
	v39 =	vsel vm9, $0x3F800000, v0;
	v23 =	vnsel vm1, $0x0, v23;
	v22 =	vadd.f32 v37, v22  }
0x56: {  	v30 =	vadd.f32 v38, v30;
	v37 =	vsel vm6, $0x3F800000, v0;
	v28 =	vadd.f32 v39, v28  }
0x57: {  	p5 =	slt.s32 s20, s2;
	p2 =	slt.s32 s20, s3;
	v26 =	vadd.f32 v37, v26;
	v37 =	vsel vm5, $0x3F800000, v0;
	v22 =	vadd.f32 v22, v36  }
0x58: {  	s21 =	sadd.s32 $0x80, s21;
	p4 =	slt.s32 s20, s4;
	p3 =	slt.s32 s20, s5;
	v30 =	vadd.f32 v30, v35;
	v35 =	vsel vm4, $0x3F800000, v0;
	v28 =	vadd.f32 v28, v33  }
0x59: {  	p1 =	slt.s32 s20, s6;
	s22 =	simm.f32 $1.000000000e+00;
	s23 =	simm.f32 $1.000000000e+00;
	v33 =	vsel vm3, $0x3F800000, v0;
	v29 =	vadd.f32 v37, v29;
	v26 =	vadd.f32 v26, v34  }
0x5a: {  	s24 =	simm.f32 $1.000000000e+00;
	s25 =	simm.f32 $1.000000000e+00;
	s22 =	simm.s32 @!p5 $0x0;
	v27 =	vadd.f32 v35, v27;
	v34 =	vsel vm2, $0x3F800000, v0;
	v25 =	vadd.f32 v33, v25  }
0x5b: {  	v17 =	vnsel vm0, $0x0, v17;
	s23 =	simm.s32 @!p2 $0x0;
	p2 =	slt.s32 s20, s9;
	s24 =	simm.s32 @!p4 $0x0;
	v24 =	vadd.f32 v34, v24;
	v29 =	vadd.f32 v29, v32;
	v35 =	vld [tilespmem:s21+$0x0]  }
0x5c: {  	s25 =	simm.s32 @!p3 $0x0;
	v32 =	vmov s23;
	s23 =	simm.f32 $1.000000000e+00;
	v27 =	vadd.f32 v27, v31;
	v31 =	vmov s22;
	s22 =	simm.f32 $1.000000000e+00  }
0x5d: {  	p3 =	slt.s32 s20, s8;
	v25 =	vadd.f32 v25, v23;
	s23 =	simm.s32 @!p2 $0x0;
	v24 =	vadd.f32 v24, v17;
	s22 =	simm.s32 @!p1 $0x0  }
0x5e: {  	v33 =	vmov s24;
	p1 =	slt.s32 s20, s7;
	v38 =	vmov s23;
	s23 =	simm.f32 $1.000000000e+00;
	v37 =	vmov s22;
	s22 =	simm.f32 $1.000000000e+00  }
0x5f: {  	v34 =	vmov s25;
	s23 =	simm.s32 @!p1 $0x0;
	s22 =	simm.s32 @!p3 $0x0  }
0x60: {  	v17 =	vmov s23;
	v23 =	vmov s22;
	vm10 =	veq.f32 v35, v13  }
0x61: {  	vm11 =	veq.f32 v35, v14;
	vm12 =	veq.f32 v35, v15;
	vm13 =	veq.f32 v35, v16  }
0x62: {  	vm14 =	veq.f32 v35, v18;
	vm15 =	veq.f32 v35, v19;
	vm1 =	veq.f32 v35, v20  }
.Ltmp6:
0x63: {  	vm7 =	vgt.f32 v35, v13;
	vm8 =	vgt.f32 v35, v14;
	vm0 =	veq.f32 v35, v21;
	(pc) =	sbr.rel @p0 .LBB2_5-.Ltmp6, $4  }
0x64: {  	vm9 =	vgt.f32 v35, v15;
	vm6 =	vgt.f32 v35, v16;
	vm5 =	vgt.f32 v35, v18  }
0x65: {  	vm4 =	vgt.f32 v35, v19;
	vm3 =	vgt.f32 v35, v20;
	vm2 =	vgt.f32 v35, v21  }
0x66: {  	v36 =	vnsel vm10, $0x0, v31;
	v35 =	vnsel vm11, $0x0, v32;
	v33 =	vnsel vm12, $0x0, v33  }
0x67: {  	s20 =	sadd.s32 $0x1, s20;
	v34 =	vnsel vm13, $0x0, v34;
	v32 =	vnsel vm14, $0x0, v37;
	v31 =	vnsel vm15, $0x0, v38  }
0x68: {  	v13 =	vsel vm7, $0x3F800000, v0  }
0x69: {  	v14 =	vsel vm8, $0x3F800000, v0;
	v15 =	vsel vm9, $0x3F800000, v0;
	v16 =	vsel vm6, $0x3F800000, v0  }
0x6a: {  	v19 =	vsel vm5, $0x3F800000, v0;
	v13 =	vadd.f32 v13, v22;
	v14 =	vadd.f32 v14, v30  }
0x6b: {  	v20 =	vsel vm4, $0x3F800000, v0;
	v15 =	vadd.f32 v15, v28;
	v16 =	vadd.f32 v16, v26  }
0x6c: {  	v19 =	vadd.f32 v19, v29;
	v20 =	vadd.f32 v20, v27  }
0x6d: {  	v23 =	vnsel vm1, $0x0, v23;
	v13 =	vadd.f32 v13, v36;
	v14 =	vadd.f32 v14, v35  }
0x6e: {  	v18 =	vld [tilespmem:$0x2080];
	v17 =	vnsel vm0, $0x0, v17;
	v15 =	vadd.f32 v15, v33;
	v16 =	vadd.f32 v16, v34  }
0x6f: {  	v21 =	vld [tilespmem:$0x2090];
	v19 =	vadd.f32 v19, v32;
	v20 =	vadd.f32 v20, v31;
	vm8 =	vlt.f32 v13, $8.000000000e+00  }
0x70: {  	v51 =	vld [tilespmem:$0x20A0];
	v13 =	vsel vm3, $0x3F800000, v0;
	vm9 =	vlt.f32 v14, $8.000000000e+00;
	v14 =	vsel vm2, $0x3F800000, v0  }
0x71: {  	v56 =	vld [tilespmem:$0x20B0];
	vm10 =	vlt.f32 v15, $8.000000000e+00;
	vm11 =	vlt.f32 v16, $8.000000000e+00;
	vm12 =	vlt.f32 v19, $8.000000000e+00  }
0x72: {  	v36 =	vld [tilespmem:$0x20C0];
	vm13 =	vlt.f32 v20, $8.000000000e+00;
	v50 =	vsel vm8, $0x3F800000, v0;
	v52 =	vsel vm9, $0x3F800000, v0  }
0x73: {  	v13 =	vadd.f32 v13, v25;
	v54 =	vsel vm10, $0x3F800000, v0;
	v14 =	vadd.f32 v14, v24  }
0x74: {  	v62 =	vsel vm11, $0x3F800000, v0;
	v41 =	vsel vm12, $0x3F800000, v0;
	v44 =	vsel vm13, $0x3F800000, v0  }
0x75: {  	v39 =	vld [tilespmem:$0x20D0];
	v18 =	vmax.f32 v18, v50;
	v21 =	vmax.f32 v21, v52;
	v25 =	vmax.f32 v51, v54  }
0x76: {  	v26 =	vmax.f32 v56, v62;
	v22 =	vperm.xlane v18, v1;
	v53 =	vperm.xlane v21, v1  }
0x77: {  	v57 =	vperm.xlane v25, v1;
	v14 =	vadd.f32 v14, v17;
	v17 =	vmax.f32 v36, v41  }
0x78: {  	v40 =	vld [tilespmem:$0x20E0];
	v32 =	vperm.xlane v26, v1;
	v13 =	vadd.f32 v13, v23;
	v43 =	vperm.xlane v17, v1  }
0x79: {  	v15 =	vmax.f32 v18, v22;
	v22 =	vmax.f32 v21, v53;
	v24 =	vmax.f32 v25, v57  }
0x7a: {  	vm14 =	vlt.f32 v13, $8.000000000e+00;
	v13 =	vmax.f32 v39, v44;
	v55 =	vperm.xlane v15, v2  }
0x7b: {  	vm15 =	vlt.f32 v14, $8.000000000e+00;
	v58 =	vperm.xlane v22, v2;
	v61 =	vperm.xlane v24, v2  }
0x7c: {  	v45 =	vsel vm14, $0x3F800000, v0;
	v14 =	vperm.xlane v13, v1;
	v46 =	vsel vm15, $0x3F800000, v0  }
0x7d: {  	v20 =	vmax.f32 v17, v43;
	v19 =	vmax.f32 v40, v45;
	v15 =	vmax.f32 v15, v55  }
0x7e: {  	v48 =	vperm.xlane v20, v2;
	v60 =	vmax.f32 v22, v58;
	v59 =	vperm.xlane v15, v3  }
0x7f: {  	v22 =	vmax.f32 v24, v61;
	v24 =	vmax.f32 v26, v32;
	v63 =	vperm.xlane v60, v3  }
0x80: {  	v47 =	vperm.xlane v19, v1;
	v34 =	vperm.xlane v22, v3;
	v15 =	vmax.f32 v15, v59  }
0x81: {  	v42 =	vld [tilespmem:$0x20F0];
	v14 =	vmax.f32 v13, v14;
	v16 =	vmax.f32 v60, v63;
	v33 =	vperm.xlane v15, v4  }
0x82: {  	v35 =	vperm.xlane v24, v2;
	v22 =	vmax.f32 v22, v34;
	v29 =	vperm.xlane v16, v4  }
0x83: {  	v51 =	vperm.xlane v14, v2;
	v37 =	vperm.xlane v22, v4;
	v15 =	vmax.f32 v15, v33  }
0x84: {  	v20 =	vmax.f32 v20, v48;
	v16 =	vmax.f32 v16, v29;
	v15 =	vmin.f32 v15, $1.000000000e+00  }
0x85: {  	v38 =	vmax.f32 v24, v35;
	v22 =	vmax.f32 v22, v37;
	v15 =	vmin.f32 v15, v16  }
0x86: {  	v24 =	vperm.xlane v38, v3;
	v15 =	vmin.f32 v15, v22;
	v22 =	vmax.f32 v42, v46  }
0x87: {  	v53 =	vperm.xlane v20, v3;
	v49 =	vperm.xlane v22, v1  }
0x88: {  	v14 =	vmax.f32 v14, v51;
	v16 =	vmax.f32 v38, v24;
	v24 =	vmax.f32 v19, v47  }
0x89: {  	v55 =	vperm.xlane v14, v3;
	v52 =	vperm.xlane v24, v2;
	v27 =	vmax.f32 v22, v49  }
0x8a: {  	v56 =	vmax.f32 v20, v53;
	v54 =	vperm.xlane v27, v2  }
0x8b: {  	v59 =	vperm.xlane v56, v4;
	v14 =	vmax.f32 v14, v55;
	v23 =	vmax.f32 v24, v52  }
0x8c: {  	[tilespmem:$0x2080] =	vst v18;
	v50 =	vperm.xlane v16, v4;
	v57 =	vperm.xlane v23, v3;
	v58 =	vmax.f32 v27, v54  }
0x8d: {  	[tilespmem:$0x2090] =	vst v21;
	v60 =	vperm.xlane v14, v4;
	v27 =	vperm.xlane v58, v3  }
0x8e: {  	[tilespmem:$0x20A0] =	vst v25;
	v18 =	vmax.f32 v56, v59;
	v16 =	vmax.f32 v16, v50;
	v20 =	vmax.f32 v23, v57  }
0x8f: {  	[tilespmem:$0x20B0] =	vst v26;
	v15 =	vmin.f32 v15, v16;
	v61 =	vperm.xlane v20, v4;
	v62 =	vmax.f32 v58, v27  }
.Ltmp7:
0x90: {  	[tilespmem:$0x20C0] =	vst v17;
	v14 =	vmax.f32 v14, v60;
	v15 =	vmin.f32 v15, v18;
	v63 =	vperm.xlane v62, v4;
	(pc) =	sbr.rel .LBB2_7-.Ltmp7, $4  }
0x91: {  	[tilespmem:$0x20D0] =	vst v13;
	v13 =	vmin.f32 v15, v14;
	v14 =	vmax.f32 v20, v61  }
0x92: {  	[tilespmem:$0x20E0] =	vst v19;
	v13 =	vmin.f32 v13, v14;
	v14 =	vmax.f32 v62, v63  }
0x93: {  	[tilespmem:$0x20F0] =	vst v22;
	v13 =	vmin.f32 v13, v14  }
0x94: {  	[tilespmem:$0x2100] =	vst v13  }
.LBB2_9:
0x95: {  	s11 =	sshll.u32 s13, $0x7  }
0x96: {  	s12 =	simm.s32 $0x2080;
	s11 =	sadd.s32 s11, s10  }
0x97: {  	[spmem:s11] =	stream.linear.scatter [tilespmem:s12], [sflag:$0x1], $0x80, $0x38;
	[tilespmem:$0x2A80] =	vst v63  }
0x98: {  	s11 =	simm.s32 $0x1  }
0x99: {  	_ =	swait.ge [sflag:s11], $0x80  }
0x9a: {  	[sflag:s11] =	ssyncset.done $0x0  }
0x9b: {  	[sflag:s11] =	ssyncadd.s32 $0xFFFFFF80  }
0x9c: {  	p0 =	sne.s32 s13, $0x0;
	[bflag:$0x0] =	sbarrier.arrive $0xFFFF  }
0x9d: {  	_ =	sfence.sel @p0 $0x180000  }
0x9e: {  	[bflag:$0x0] =	sbarrier.arrive @p0 $0xFFFF  }
0x9f: {  	_ =	strace @p0 $0x90000047  }
0xa0: {  	[bflag:$0x2] =	sbarrier.arrive @p0 $0xFFFF  }
0xa1: {  	_ =	shalt @p0  }
.LBB2_10:
0xa2: {  	v0 =	vimm.f32 $2.621440000e+05  }
0xa3: {  	(erf) = vrcp.f32 v0;
	_ =	sdelay $0x7  }
0xa4: {  	s12 =	simm.s32 $0x2180  }
0xa5: {  	[tilespmem:s12], [sflag:$0x1] =	stream.linear.gather [spmem:s10], $0x800, $0x38;
	v0 =	vpop (erf);
	[tilespmem:$0x2A80] =	vst v63  }
0xa6: {  	[tilespmem:$0x1FFF0] =	vst v0  }
0xa7: {  	_ =	swait.ge [sflag:s11], $0x800  }
0xa8: {  	[sflag:s11] =	ssyncset.done $0x0  }
0xa9: {  	[sflag:s11] =	ssyncadd.s32 $0xFFFFF800  }
0xaa: {  	v1 =	vld [tilespmem:$0x2180]  }
0xab: {  	v2 =	vld [tilespmem:$0x2190]  }
0xac: {  	v3 =	vld [tilespmem:$0x21A0]  }
0xad: {  	v4 =	vld [tilespmem:$0x21B0]  }
0xae: {  	v5 =	vld [tilespmem:$0x21C0]  }
0xaf: {  	v6 =	vld [tilespmem:$0x21D0]  }
0xb0: {  	v7 =	vld [tilespmem:$0x21E0]  }
0xb1: {  	v8 =	vld [tilespmem:$0x21F0]  }
0xb2: {  	v9 =	vld [tilespmem:$0x2200]  }
0xb3: {  	v10 =	vld [tilespmem:$0x2210]  }
0xb4: {  	v11 =	vld [tilespmem:$0x2220]  }
0xb5: {  	v12 =	vld [tilespmem:$0x2230]  }
0xb6: {  	v13 =	vld [tilespmem:$0x2240]  }
0xb7: {  	v14 =	vld [tilespmem:$0x2250]  }
0xb8: {  	v15 =	vld [tilespmem:$0x2260]  }
0xb9: {  	v16 =	vld [tilespmem:$0x2270]  }
0xba: {  	v17 =	vld [tilespmem:$0x2280]  }
0xbb: {  	v18 =	vld [tilespmem:$0x2290]  }
0xbc: {  	v19 =	vld [tilespmem:$0x22A0]  }
0xbd: {  	v20 =	vld [tilespmem:$0x22B0]  }
0xbe: {  	v21 =	vld [tilespmem:$0x22C0]  }
0xbf: {  	v22 =	vld [tilespmem:$0x22D0]  }
0xc0: {  	v23 =	vld [tilespmem:$0x22E0]  }
0xc1: {  	v24 =	vld [tilespmem:$0x22F0]  }
0xc2: {  	v25 =	vld [tilespmem:$0x2300]  }
0xc3: {  	v26 =	vld [tilespmem:$0x2310]  }
0xc4: {  	v27 =	vld [tilespmem:$0x2320]  }
0xc5: {  	v28 =	vld [tilespmem:$0x2330]  }
0xc6: {  	v29 =	vld [tilespmem:$0x2340]  }
0xc7: {  	v30 =	vld [tilespmem:$0x2350]  }
0xc8: {  	v31 =	vld [tilespmem:$0x2360]  }
0xc9: {  	v32 =	vld [tilespmem:$0x2370]  }
0xca: {  	v33 =	vld [tilespmem:$0x2380]  }
0xcb: {  	v34 =	vld [tilespmem:$0x2390]  }
0xcc: {  	v35 =	vld [tilespmem:$0x23A0]  }
0xcd: {  	v36 =	vld [tilespmem:$0x23B0]  }
0xce: {  	v37 =	vld [tilespmem:$0x23C0]  }
0xcf: {  	v38 =	vld [tilespmem:$0x23D0]  }
0xd0: {  	v39 =	vld [tilespmem:$0x23E0]  }
0xd1: {  	v40 =	vld [tilespmem:$0x23F0]  }
0xd2: {  	v41 =	vld [tilespmem:$0x2400]  }
0xd3: {  	v42 =	vld [tilespmem:$0x2410]  }
0xd4: {  	v43 =	vld [tilespmem:$0x2420]  }
0xd5: {  	v44 =	vld [tilespmem:$0x2430]  }
0xd6: {  	v45 =	vld [tilespmem:$0x2440]  }
0xd7: {  	v46 =	vld [tilespmem:$0x2450]  }
0xd8: {  	v47 =	vld [tilespmem:$0x2460]  }
0xd9: {  	v48 =	vld [tilespmem:$0x2470]  }
0xda: {  	v0 =	vld [tilespmem:$0x2570]  }
0xdb: {  	v49 =	vld [tilespmem:$0x2480]  }
0xdc: {  	v50 =	vld [tilespmem:$0x2490]  }
0xdd: {  	v51 =	vld [tilespmem:$0x24A0]  }
0xde: {  	v52 =	vld [tilespmem:$0x24B0]  }
0xdf: {  	[tilespmem:$0x1FEF0] =	vst v0;
	v0 =	vld [tilespmem:$0x2580]  }
0xe0: {  	v53 =	vld [tilespmem:$0x24C0]  }
0xe1: {  	v54 =	vld [tilespmem:$0x24D0]  }
0xe2: {  	v55 =	vld [tilespmem:$0x24E0]  }
0xe3: {  	v56 =	vld [tilespmem:$0x24F0]  }
0xe4: {  	[tilespmem:$0x1FF00] =	vst v0;
	v0 =	vld [tilespmem:$0x2590]  }
0xe5: {  	v57 =	vld [tilespmem:$0x2500]  }
0xe6: {  	v58 =	vld [tilespmem:$0x2510]  }
0xe7: {  	v59 =	vld [tilespmem:$0x2520]  }
0xe8: {  	v60 =	vld [tilespmem:$0x2530]  }
0xe9: {  	[tilespmem:$0x1FF10] =	vst v0;
	v0 =	vld [tilespmem:$0x25A0]  }
0xea: {  	v61 =	vld [tilespmem:$0x2540]  }
0xeb: {  	v62 =	vld [tilespmem:$0x2550]  }
0xec: {  	v63 =	vld [tilespmem:$0x2560];
	v1 =	vmax.f32 v1, $0.0e+00  }
0xed: {  	v1 =	vmax.f32 v1, v9;
	v9 =	vld [tilespmem:$0x2670]  }
0xee: {  	v2 =	vmax.f32 v2, $0.0e+00;
	[tilespmem:$0x1FF20] =	vst v0;
	v0 =	vld [tilespmem:$0x25B0]  }
0xef: {  	v3 =	vmax.f32 v3, $0.0e+00;
	v2 =	vmax.f32 v2, v10;
	v10 =	vld [tilespmem:$0x2680]  }
0xf0: {  	v4 =	vmax.f32 v4, $0.0e+00;
	v3 =	vmax.f32 v3, v11;
	v11 =	vld [tilespmem:$0x2690]  }
0xf1: {  	v5 =	vmax.f32 v5, $0.0e+00;
	v4 =	vmax.f32 v4, v12;
	v12 =	vld [tilespmem:$0x26A0]  }
0xf2: {  	v5 =	vmax.f32 v5, v13;
	v13 =	vld [tilespmem:$0x26B0]  }
0xf3: {  	v6 =	vmax.f32 v6, $0.0e+00;
	[tilespmem:$0x1FF30] =	vst v0;
	v0 =	vld [tilespmem:$0x25C0]  }
0xf4: {  	v7 =	vmax.f32 v7, $0.0e+00;
	v6 =	vmax.f32 v6, v14;
	v14 =	vld [tilespmem:$0x26C0]  }
0xf5: {  	v8 =	vmax.f32 v8, $0.0e+00;
	v7 =	vmax.f32 v7, v15;
	v15 =	vld [tilespmem:$0x26D0]  }
0xf6: {  	v8 =	vmax.f32 v8, v16;
	v16 =	vld [tilespmem:$0x26E0]  }
0xf7: {  	v1 =	vmax.f32 v1, v17;
	v17 =	vld [tilespmem:$0x26F0]  }
0xf8: {  	[tilespmem:$0x1FF40] =	vst v0;
	v0 =	vld [tilespmem:$0x25D0]  }
0xf9: {  	v2 =	vmax.f32 v2, v18;
	v18 =	vld [tilespmem:$0x2700]  }
0xfa: {  	v3 =	vmax.f32 v3, v19;
	v19 =	vld [tilespmem:$0x2710]  }
0xfb: {  	v4 =	vmax.f32 v4, v20;
	v20 =	vld [tilespmem:$0x2720]  }
0xfc: {  	v5 =	vmax.f32 v5, v21;
	v21 =	vld [tilespmem:$0x2730]  }
0xfd: {  	[tilespmem:$0x1FF50] =	vst v0;
	v0 =	vld [tilespmem:$0x25E0]  }
0xfe: {  	v6 =	vmax.f32 v6, v22;
	v22 =	vld [tilespmem:$0x2740]  }
0xff: {  	v2 =	vmax.f32 v2, v26;
	v26 =	vld [tilespmem:$0x2880]  }
0x100: {  	v3 =	vmax.f32 v3, v27;
	v27 =	vld [tilespmem:$0x2890]  }
0x101: {  	v5 =	vmax.f32 v5, v29;
	v29 =	vld [tilespmem:$0x28A0]  }
0x102: {  	v4 =	vmax.f32 v4, v28;
	[tilespmem:$0x1FF60] =	vst v0;
	v0 =	vld [tilespmem:$0x25F0]  }
0x103: {  	v4 =	vmax.f32 v4, v36;
	v36 =	vld [tilespmem:$0x2780]  }
0x104: {  	v7 =	vmax.f32 v7, v23;
	v6 =	vmax.f32 v6, v30;
	v5 =	vmax.f32 v5, v37;
	v37 =	vld [tilespmem:$0x2790]  }
0x105: {  	v7 =	vmax.f32 v7, v31;
	v6 =	vmax.f32 v6, v38;
	v38 =	vld [tilespmem:$0x27A0]  }
0x106: {  	v7 =	vmax.f32 v7, v39;
	v39 =	vld [tilespmem:$0x1FEF0]  }
0x107: {  	v1 =	vmax.f32 v1, v25;
	[tilespmem:$0x1FF70] =	vst v0;
	v0 =	vld [tilespmem:$0x2600]  }
0x108: {  	v1 =	vmax.f32 v1, v33;
	v33 =	vld [tilespmem:$0x2900]  }
0x109: {  	v8 =	vmax.f32 v8, v24;
	v1 =	vmax.f32 v1, v41;
	v41 =	vld [tilespmem:$0x27B0]  }
0x10a: {  	v8 =	vmax.f32 v8, v32;
	v5 =	vmax.f32 v5, v45;
	v45 =	vld [tilespmem:$0x27C0]  }
0x10b: {  	v8 =	vmax.f32 v8, v40;
	v4 =	vmax.f32 v4, v44;
	v40 =	vld [tilespmem:$0x1FF00]  }
0x10c: {  	v4 =	vmax.f32 v4, v52;
	[tilespmem:$0x1FF80] =	vst v0;
	v0 =	vld [tilespmem:$0x2610]  }
0x10d: {  	v6 =	vmax.f32 v6, v46;
	v5 =	vmax.f32 v5, v53;
	v4 =	vmax.f32 v4, v60;
	v60 =	vld [tilespmem:$0x2800]  }
0x10e: {  	v6 =	vmax.f32 v6, v54;
	v5 =	vmax.f32 v5, v61;
	v61 =	vld [tilespmem:$0x2810]  }
0x10f: {  	v2 =	vmax.f32 v2, v34;
	v6 =	vmax.f32 v6, v62;
	v62 =	vld [tilespmem:$0x2820]  }
0x110: {  	v2 =	vmax.f32 v2, v42;
	v42 =	vld [tilespmem:$0x1FF10]  }
0x111: {  	v3 =	vmax.f32 v3, v35;
	[tilespmem:$0x1FF90] =	vst v0;
	v0 =	vld [tilespmem:$0x2620]  }
0x112: {  	v3 =	vmax.f32 v3, v43;
	v43 =	vld [tilespmem:$0x1FF20]  }
0x113: {  	v44 =	vld [tilespmem:$0x1FF30]  }
0x114: {  	v30 =	vimm.s32 $0x76543210;
	v46 =	vld [tilespmem:$0x1FF40]  }
0x115: {  	v28 =	vimm.s32 $0xFEDCBA98;
	v31 =	vunpack.c.l.s4.s8 v30;
	v3 =	vmax.f32 v3, v51;
	v51 =	vld [tilespmem:$0x1FF80]  }
0x116: {  	v35 =	vimm.s32 $0x3210FEDC;
	v7 =	vmax.f32 v7, v47;
	v8 =	vmax.f32 v8, v48;
	[tilespmem:$0x1FFA0] =	vst v0;
	v0 =	vld [tilespmem:$0x2630]  }
0x117: {  	v1 =	vmax.f32 v1, v49;
	v2 =	vmax.f32 v2, v50;
	v7 =	vmax.f32 v7, v55;
	v47 =	vld [tilespmem:$0x1FF50]  }
0x118: {  	v8 =	vmax.f32 v8, v56;
	v1 =	vmax.f32 v1, v57;
	v2 =	vmax.f32 v2, v58;
	v48 =	vld [tilespmem:$0x1FF60]  }
0x119: {  	v3 =	vmax.f32 v3, v59;
	v7 =	vmax.f32 v7, v63;
	v1 =	vmax.f32 v1, v40;
	v52 =	vld [tilespmem:$0x1FF90]  }
0x11a: {  	v2 =	vmax.f32 v2, v42;
	v42 =	vimm.s32 $0x10FEDCBA;
	v3 =	vmax.f32 v3, v43;
	v54 =	vld [tilespmem:$0x1FFA0]  }
0x11b: {  	v43 =	vimm.s32 $0x98765432;
	v4 =	vmax.f32 v4, v44;
	v1 =	vmax.f32 v1, v51;
	[tilespmem:$0x1FFB0] =	vst v0;
	v0 =	vld [tilespmem:$0x2640]  }
0x11c: {  	v44 =	vunpack.c.l.s4.s8 v42;
	v5 =	vmax.f32 v5, v46;
	v1 =	vmax.f32 v1, v10;
	v55 =	vld [tilespmem:$0x1FFB0]  }
0x11d: {  	v63 =	vld [tilespmem:$0x2830];
	v6 =	vmax.f32 v6, v47;
	v10 =	vunpack.c.l.s4.s8 v28;
	v1 =	vmax.f32 v1, v18  }
0x11e: {  	v47 =	vunpack.c.0.s8.s32 v44;
	v7 =	vmax.f32 v7, v48;
	v50 =	vld [tilespmem:$0x1FF70];
	v1 =	vmax.f32 v1, v36  }
0x11f: {  	v34 =	vunpack.c.0.s8.s32 v10;
	v36 =	vld [tilespmem:$0x28B0];
	v10 =	vunpack.c.l.s4.s8 v35;
	v3 =	vmax.f32 v3, v54  }
0x120: {  	v1 =	vmax.f32 v1, v60;
	v2 =	vmax.f32 v2, v52;
	v3 =	vmax.f32 v3, v12;
	[tilespmem:$0x1FFC0] =	vst v0;
	v0 =	vld [tilespmem:$0x2650]  }
0x121: {  	v32 =	vmax.f32 v1, v26;
	v3 =	vmax.f32 v3, v20;
	v4 =	vmax.f32 v4, v55;
	v56 =	vld [tilespmem:$0x1FFC0]  }
0x122: {  	v2 =	vmax.f32 v2, v11;
	v3 =	vmax.f32 v3, v38;
	v38 =	vld [tilespmem:$0x28C0];
	v4 =	vmax.f32 v4, v13  }
0x123: {  	v1 =	vand.u32 $0xF, v34;
	v2 =	vmax.f32 v2, v19;
	v55 =	vld [tilespmem:$0x2930];
	v4 =	vmax.f32 v4, v21  }
0x124: {  	v40 =	vunpack.c.0.s8.s32 v10;
	v2 =	vmax.f32 v2, v37;
	v4 =	vmax.f32 v4, v41;
	v41 =	vld [tilespmem:$0x2910]  }
0x125: {  	v52 =	vimm.s32 $0xFEDCBA9;
	v37 =	vimm.s32 $0xBA987654;
	v2 =	vmax.f32 v2, v61;
	[tilespmem:$0x1FFD0] =	vst v0;
	v0 =	vld [tilespmem:$0x2660]  }
0x126: {  	v2 =	vmax.f32 v2, v27;
	v12 =	vmax.f32 v32, v33;
	v21 =	vld [tilespmem:$0x2840];
	v5 =	vmax.f32 v5, v56  }
0x127: {  	v3 =	vmax.f32 v3, v62;
	v4 =	vmax.f32 v4, v63;
	v58 =	vld [tilespmem:$0x1FFD0];
	v5 =	vmax.f32 v5, v14  }
0x128: {  	v23 =	vld [tilespmem:$0x2750];
	v3 =	vmax.f32 v3, v29;
	v4 =	vmax.f32 v4, v36;
	v5 =	vmax.f32 v5, v22  }
0x129: {  	v25 =	vld [tilespmem:$0x2770];
	v56 =	vunpack.c.l.s4.s8 v52;
	v4 =	vmax.f32 v4, v55;
	v5 =	vmax.f32 v5, v45  }
0x12a: {  	v49 =	vld [tilespmem:$0x27D0];
	v45 =	vunpack.c.l.s4.s8 v43;
	v2 =	vmax.f32 v2, v41;
	[tilespmem:$0x1FFE0] =	vst v0;
	v0 =	vmax.f32 v8, v39  }
0x12b: {  	v57 =	vld [tilespmem:$0x27F0];
	v5 =	vmax.f32 v5, v21;
	v8 =	vunpack.c.0.s8.s32 v31;
	v0 =	vmax.f32 v0, v50  }
0x12c: {  	v6 =	vmax.f32 v6, v58;
	v59 =	vld [tilespmem:$0x1FFE0];
	v5 =	vmax.f32 v5, v38;
	v48 =	vunpack.c.0.s8.s32 v45  }
0x12d: {  	v50 =	vld [tilespmem:$0x2920];
	v0 =	vmax.f32 v0, v9;
	v6 =	vmax.f32 v6, v15;
	v15 =	vunpack.c.l.s4.s8 v37  }
0x12e: {  	v58 =	vld [tilespmem:$0x2940];
	v1 =	vcombine.low v1, v8;
	v0 =	vmax.f32 v0, v17;
	v6 =	vmax.f32 v6, v23  }
0x12f: {  	v24 =	vld [tilespmem:$0x2760];
	v9 =	vcombine.low v48, v47;
	v0 =	vmax.f32 v0, v25;
	v6 =	vmax.f32 v6, v49  }
0x130: {  	v53 =	vld [tilespmem:$0x27E0];
	v15 =	vunpack.c.0.s8.s32 v15;
	v46 =	vperm.xlane v12, v1;
	v54 =	vperm.xlane v2, v1  }
0x131: {  	v23 =	vld [tilespmem:$0x2850];
	v22 =	vperm.xlane v4, v1;
	v0 =	vmax.f32 v0, v57;
	v9 =	vand.u32 $0xF, v9  }
0x132: {  	v39 =	vld [tilespmem:$0x28D0];
	v7 =	vmax.f32 v7, v59;
	v8 =	vcombine.low v15, v40;
	v12 =	vmax.f32 v12, v46  }
0x133: {  	v25 =	vld [tilespmem:$0x2870];
	v2 =	vmax.f32 v2, v54;
	v3 =	vmax.f32 v3, v50;
	v5 =	vmax.f32 v5, v58  }
0x134: {  	v4 =	vmax.f32 v4, v22;
	v7 =	vmax.f32 v7, v16;
	v16 =	vimm.f32 $0.0e+00  }
0x135: {  	p0 =	seq.s32 s2, s3;
	v60 =	vperm.xlane v3, v1;
	v32 =	vperm.xlane v5, v1;
	v7 =	vmax.f32 v7, v24  }
0x136: {  	p6 =	seq.s32 s3, s4;
	p2 =	seq.s32 s4, s5;
	p5 =	seq.s32 s5, s6;
	v51 =	vld [tilespmem:$0x28F0];
	v6 =	vmax.f32 v6, v23;
	v8 =	vand.u32 $0xF, v8;
	v26 =	vpsel !p0, $0x3F800000, v16  }
0x137: {  	v62 =	vld [tilespmem:$0x2950];
	v31 =	vpsel !p6, $0x3F800000, v16;
	v34 =	vpsel !p2, $0x3F800000, v16;
	v41 =	vpsel !p5, $0x3F800000, v16  }
0x138: {  	v7 =	vmax.f32 v7, v53;
	v0 =	vmax.f32 v0, v25;
	v6 =	vmax.f32 v6, v39  }
0x139: {  	v14 =	vperm.xlane v12, v8;
	v53 =	vimm.s32 $0x87654321;
	v17 =	vperm.xlane v2, v8  }
0x13a: {  	p3 =	seq.s32 s3, s5;
	v33 =	vld [tilespmem:$0x2970];
	v3 =	vmax.f32 v3, v60;
	v28 =	vperm.xlane v4, v8;
	v5 =	vmax.f32 v5, v32  }
0x13b: {  	v36 =	vpsel p3, $0x0, v34;
	v57 =	vunpack.c.l.s4.s8 v53;
	v0 =	vmax.f32 v0, v51  }
0x13c: {  	p3 =	seq.s32 s6, s9;
	v21 =	vperm.xlane v3, v8;
	v6 =	vmax.f32 v6, v62;
	v37 =	vperm.xlane v5, v8  }
0x13d: {  	v24 =	vld [tilespmem:$0x2860];
	v46 =	vpsel !p3, $0x3F800000, v16;
	v12 =	vmax.f32 v12, v14;
	v14 =	vunpack.c.0.s8.s32 v56  }
0x13e: {  	v49 =	vld [tilespmem:$0x28E0];
	p3 =	seq.s32 s9, s8;
	v2 =	vmax.f32 v2, v17;
	v4 =	vmax.f32 v4, v28;
	v38 =	vperm.xlane v6, v1  }
0x13f: {  	v0 =	vmax.f32 v0, v33;
	v55 =	vpsel !p3, $0x3F800000, v16;
	v15 =	vunpack.c.0.s8.s32 v57  }
0x140: {  	p6 =	seq.s32 s4, s6;
	v59 =	vperm.xlane v12, v9;
	v61 =	vperm.xlane v2, v9;
	v3 =	vmax.f32 v3, v21  }
0x141: {  	v23 =	vld [tilespmem:$0x2960];
	v30 =	vperm.xlane v4, v9;
	v40 =	vmax.f32 v5, v37;
	v5 =	vpsel p6, $0x0, v41  }
0x142: {  	p2 =	seq.s32 s3, s6;
	v7 =	vmax.f32 v7, v24;
	v27 =	vperm.xlane v3, v9;
	v42 =	vperm.xlane v40, v9  }
0x143: {  	v6 =	vmax.f32 v6, v38;
	v44 =	vpsel p2, $0x0, v5;
	v7 =	vmax.f32 v7, v49  }
0x144: {  	p2 =	seq.s32 s5, s9;
	v14 =	vcombine.low v15, v14;
	v11 =	vmax.f32 v12, v59;
	v2 =	vmax.f32 v2, v61  }
0x145: {  	p5 =	seq.s32 s4, s9;
	v4 =	vmax.f32 v4, v30;
	v43 =	vperm.xlane v6, v8;
	v47 =	vpsel p2, $0x0, v46  }
0x146: {  	v3 =	vmax.f32 v3, v27;
	v7 =	vmax.f32 v7, v23;
	v49 =	vpsel p5, $0x0, v47  }
0x147: {  	v63 =	vand.u32 $0xF, v14;
	v50 =	vperm.xlane v7, v1;
	v1 =	vperm.xlane v0, v1  }
0x148: {  	p6 =	seq.s32 s3, s9;
	v6 =	vmax.f32 v6, v43;
	v24 =	vperm.xlane v11, v63;
	v25 =	vperm.xlane v2, v63  }
0x149: {  	v51 =	vpsel p6, $0x0, v49;
	v29 =	vperm.xlane v3, v63;
	v35 =	vperm.xlane v4, v63  }
0x14a: {  	p2 =	seq.s32 s2, s9;
	v48 =	vperm.xlane v6, v9;
	v2 =	vmax.f32 v2, v25;
	v11 =	vmax.f32 v11, v24  }
0x14b: {  	v53 =	vpsel p2, $0x0, v51;
	v2 =	vmul.f32 v2, v26;
	v11 =	vadd.f32 $0.0e+00, v11  }
0x14c: {  	p1 =	seq.s32 s2, s4;
	v0 =	vmax.f32 v0, v1;
	v3 =	vmax.f32 v3, v29;
	v4 =	vmax.f32 v4, v35  }
0x14d: {  	p4 =	seq.s32 s2, s5;
	v52 =	vmax.f32 v6, v48;
	v2 =	vadd.f32 v2, v11;
	v11 =	vpsel p1, $0x0, v31  }
0x14e: {  	v57 =	vperm.xlane v0, v8;
	v3 =	vmul.f32 v3, v11;
	v11 =	vpsel p4, $0x0, v36  }
0x14f: {  	p2 =	seq.s32 s8, s7;
	v6 =	vperm.xlane v52, v63;
	v39 =	vmul.f32 v4, v11;
	v4 =	vmax.f32 v40, v42  }
0x150: {  	v7 =	vmax.f32 v7, v50;
	v59 =	vpsel !p2, $0x3F800000, v16;
	v45 =	vperm.xlane v4, v63  }
0x151: {  	v54 =	vperm.xlane v7, v8;
	v0 =	vmax.f32 v0, v57;
	v5 =	vmax.f32 v52, v6;
	p4 =	seq.s32 s2, s6  }
0x152: {  	v2 =	vadd.f32 v3, v2;
	v3 =	vpsel p4, $0x0, v44;
	v4 =	vmax.f32 v4, v45  }
0x153: {  	v6 =	vperm.xlane v0, v9;
	p4 =	seq.s32 s6, s8;
	v3 =	vmul.f32 v4, v3;
	v4 =	vmax.f32 v7, v54  }
0x154: {  	p3 =	seq.s32 s9, s7;
	p5 =	seq.s32 s5, s8;
	v56 =	vpsel p4, $0x0, v55;
	v2 =	vadd.f32 v39, v2;
	v58 =	vperm.xlane v4, v9  }
0x155: {  	p6 =	seq.s32 s4, s8;
	v60 =	vpsel p3, $0x0, v59;
	v0 =	vmax.f32 v0, v6;
	v1 =	vpsel p5, $0x0, v56  }
0x156: {  	p5 =	seq.s32 s6, s7;
	v1 =	vpsel p6, $0x0, v1;
	v2 =	vadd.f32 v3, v2;
	v4 =	vmax.f32 v4, v58  }
0x157: {  	p3 =	seq.s32 s5, s7;
	p4 =	seq.s32 s3, s8;
	v3 =	vmul.f32 v5, v53;
	v5 =	vpsel p5, $0x0, v60;
	v61 =	vperm.xlane v4, v63  }
0x158: {  	v6 =	vperm.xlane v0, v63;
	p6 =	seq.s32 s2, s8;
	v1 =	vpsel p4, $0x0, v1;
	p4 =	seq.s32 s4, s7;
	v5 =	vpsel p3, $0x0, v5  }
0x159: {  	v1 =	vpsel p6, $0x0, v1;
	p5 =	seq.s32 s3, s7;
	v5 =	vpsel p4, $0x0, v5;
	v4 =	vmax.f32 v4, v61  }
0x15a: {  	p6 =	seq.s32 s2, s7;
	v2 =	vadd.f32 v3, v2;
	v62 =	vpsel p5, $0x0, v5;
	v1 =	vmul.f32 v4, v1  }
0x15b: {  	v0 =	vmax.f32 v0, v6;
	v63 =	vld [tilespmem:$0x1FFF0];
	v3 =	vpsel p6, $0x0, v62  }
0x15c: {  	v0 =	vmul.f32 v0, v3;
	v1 =	vadd.f32 v1, v2;
	_ =	sdelay $0x1  }
0x15d: {  	v0 =	vadd.f32 v0, v1;
	_ =	sdelay $0x1  }
0x15e: {  	v0 =	vmul.f32 v0, v63;
	_ =	sdelay $0x1  }
0x15f: {  	v0 =	vsub.f32 $1.000000000e+00, v0;
	_ =	sdelay $0x1  }
0x160: {  	s30 =	simm.s32 $0x0;
	s31 =	simm.s32 $0x2980;
	[tilespmem:$0x2980] =	vst v0  }
0x161: {  	[hbm4b:s1+s30] =	stream.linear.scatter [tilespmem:s31], [sflag:$0x1], $0x80, $0x38;
	[tilespmem:$0x2A80] =	vst v63  }
0x162: {  	_ =	swait.ge [sflag:s11], $0x80  }
0x163: {  	[sflag:s11] =	ssyncset.done $0x0  }
0x164: {  	[sflag:s11] =	ssyncadd.s32 $0xFFFFFF80  }
0x165: {  	_ =	sfence.sel $0x180000  }
0x166: {  	[bflag:$0x0] =	sbarrier.arrive $0xFFFF  }
0x167: {  	_ =	strace $0x90000047  }
0x168: {  	s0 =	sadd.s32 $0x100000, s0;
	[bflag:$0x2] =	sbarrier.arrive $0xFFFF  }
0x169: {  	[sflag:s0] =	ssyncadd.tile.s32 $0x1;
	_ =	shalt  }
.Lfunc_end2:
_tile_overlayer_lowered:
.L_overlay_start_2:
0x16a: {  	(tag) =	ssettag $0x2  }
0x16b: {  	s0 =	rddreg [dreg:$0x0];
	s2 =	stileid.u32  }
0x16c: {  	s1 =	rddreg [dreg:$0x1];
	p0 =	sne.s32 s2, $0x0  }
0x16d: {  	s3 =	rddreg [dreg:$0x2];
	[bflag:$0x3] =	sbarrier.arrive $0xFFFF;
	s2 =	simm.s32 @!p0 $0x1C01  }
0x16e: {  	[timem:s3], [sflag:s2] =	dma.local @!p0 [hbm:s0], s1  }
0x16f: {  	s0 =	simm.s32 @!p0 $0x1  }
0x170: {  	_ =	swait.ge @!p0 [sflag:s0], s1  }
0x171: {  	s1 =	ssub.s32 @!p0 $0x0, s1;
	[sflag:s0] =	ssyncset.done @!p0 $0x0  }
0x172: {  	[sflag:s0] =	ssyncadd.s32 @!p0 s1  }
0x173: {  	[bflag:$0x3] =	sbarrier.arrive $0xFFFF  }
0x174: {  	_ =	shalt  }

</sc_bundles>
